<compile_context>
chip_gen: v7x
topology: tpu7x:2x2x1
jax: 0.10.2.dev20260603
libtpu: 0.0.44.dev20260713+nightly
codegen_flags: <defaults>
</compile_context>

<pallas_src>
import functools

import jax
import jax.numpy as jnp
from jax import lax
from jax.experimental import pallas as pl
from jax.experimental.pallas import tpu as pltpu
from jax.experimental.pallas import tpu_sc as plsc

N_NODES = 10000
NODE_SIZE = 128
NUM_GRAPHS = 128
GLOBAL_SIZE = 64
NC = 2
NS = 16
L = 16
C = 224
SC_ROWS = NC * NS * C
SEG_ROWS = 136
ZROWS = 16
CHUNKS = (128, 96)
HBLK = 512

_SELU_SCALE = 1.0507009873554805
_SELU_ALPHA = 1.6732632423543772


def _sc_segsum(x, batch):
    mesh = plsc.VectorSubcoreMesh(core_axis_name="c", subcore_axis_name="s")

    @functools.partial(
        pl.kernel,
        mesh=mesh,
        out_type=jax.ShapeDtypeStruct((NC * SEG_ROWS, NODE_SIZE), jnp.float32),
        scratch_types=[
            pltpu.VMEM((C, NODE_SIZE), jnp.float32),
            pltpu.VMEM((C,), jnp.int32),
            pltpu.VMEM((len(CHUNKS), 128), jnp.int32),
            pltpu.VMEM((ZROWS, NODE_SIZE), jnp.float32),
            pltpu.VMEM_SHARED((SEG_ROWS, NODE_SIZE), jnp.float32),
            pltpu.SemaphoreType.DMA,
            pltpu.SemaphoreType.DMA,
            pltpu.SemaphoreType.DMA,
        ],
    )
    def seg_kernel(x_hbm, b_hbm, acc_out, xv, bv, idx2, zbuf, acc_sh,
                   semx, semb, sems):
        cid = lax.axis_index("c")
        sid = lax.axis_index("s")
        wid = sid * NC + cid
        base = wid * C

        hx = pltpu.async_copy(x_hbm.at[pl.ds(base, C), :], xv, semx)
        hb = pltpu.async_copy(b_hbm.at[pl.ds(base, C)], bv, semb)

        zero = jnp.zeros((L,), jnp.float32)
        for i in range(ZROWS):
            for j in range(NODE_SIZE // L):
                zbuf[i, pl.ds(j * L, L)] = zero
        zbase = jnp.minimum(sid * ZROWS, SEG_ROWS - ZROWS)
        pltpu.sync_copy(zbuf, acc_sh.at[pl.ds(zbase, ZROWS)])

        hb.wait()
        bounds = []
        off = 0
        for csz in CHUNKS:
            bounds.append(off)
            off += csz
        for k in range(C // L):
            p = k * L
            ci = sum(1 for lo in bounds if lo <= p) - 1
            idx2[ci, pl.ds(p - bounds[ci], L)] = bv[pl.ds(p, L)]

        hx.wait()
        plsc.subcore_barrier()

        handles = []
        off = 0
        for ci, csz in enumerate(CHUNKS):
            handles.append(pltpu.async_copy(
                xv.at[pl.ds(off, csz), :],
                acc_sh.at[idx2.at[ci, pl.ds(0, csz)]], sems, add=True))
            off += csz
        for h in handles:
            h.wait()

        plsc.subcore_barrier()

        @pl.when(sid == 0)
        def _():
            pltpu.sync_copy(acc_sh, acc_out.at[pl.ds(cid * SEG_ROWS, SEG_ROWS)])

    return seg_kernel(x, batch)


def _tc_hist_tail(b_ref, x_ref, cnt_ref, tsum_ref, xbuf, sem0, sem1):
    sems = (sem0, sem1)
    blocks = []
    for k in range(0, N_NODES, HBLK):
        blocks.append((k, min(HBLK, N_NODES - k)))
    tail = [(o, s) for (o, s) in blocks if o >= SC_ROWS]

    handles = {}
    for i in range(min(2, len(tail))):
        o, s = tail[i]
        handles[i] = pltpu.make_async_copy(
            x_ref.at[pl.ds(o, s), :], xbuf.at[i % 2, pl.ds(0, s), :],
            sems[i % 2])
        handles[i].start()

    gid = lax.broadcasted_iota(jnp.int32, (NUM_GRAPHS, 1), 0)
    cnt = jnp.zeros((NUM_GRAPHS, 1), jnp.float32)
    tsum = jnp.zeros((NUM_GRAPHS, NODE_SIZE), jnp.float32)
    ti = 0
    for (o, s) in blocks:
        eq = (b_ref[:, o:o + s] == gid).astype(jnp.float32)
        ones_col = jnp.ones((s, 1), jnp.float32)
        cnt = cnt + jnp.dot(eq, ones_col,
                            preferred_element_type=jnp.float32)
        if o >= SC_ROWS:
            handles[ti].wait()
            if ti + 2 < len(tail):
                o2, s2 = tail[ti + 2]
                handles[ti + 2] = pltpu.make_async_copy(
                    x_ref.at[pl.ds(o2, s2), :],
                    xbuf.at[ti % 2, pl.ds(0, s2), :], sems[ti % 2])
                handles[ti + 2].start()
            xblk = xbuf[ti % 2, pl.ds(0, s), :]
            tsum = tsum + jnp.dot(eq, xblk,
                                  preferred_element_type=jnp.float32)
            ti += 1
    cnt_ref[:] = jnp.maximum(cnt, 1.0)
    tsum_ref[:] = tsum


def _tc_mlp(acc_ref, ts_ref, cnt_ref, ut_ref, w1t_ref, b1_ref, w2_ref,
            b2_ref, out_ref):
    s = (acc_ref[:NUM_GRAPHS, :]
         + acc_ref[SEG_ROWS:SEG_ROWS + NUM_GRAPHS, :]
         + ts_ref[:])
    mean = s / cnt_ref[:]
    h = (lax.dot_general(ut_ref[:], w1t_ref[:, :GLOBAL_SIZE],
                         (((0,), (1,)), ((), ())),
                         preferred_element_type=jnp.float32)
         + lax.dot_general(mean, w1t_ref[:, GLOBAL_SIZE:],
                           (((1,), (1,)), ((), ())),
                           preferred_element_type=jnp.float32)
         + b1_ref[:])
    h = _SELU_SCALE * jnp.where(h > 0, h, _SELU_ALPHA * (jnp.exp(h) - 1.0))
    out_t = lax.dot_general(w2_ref[:], h, (((0,), (1,)), ((), ())),
                            preferred_element_type=jnp.float32)
    out_ref[:] = out_t + b2_ref[:]


def kernel(x, edge_index, edge_attr, u, batch, W1, b1, W2, b2):
    acc = _sc_segsum(x, batch)
    cnt, tsum = pl.pallas_call(
        _tc_hist_tail,
        in_specs=[
            pl.BlockSpec(memory_space=pltpu.VMEM),
            pl.BlockSpec(memory_space=pl.ANY),
        ],
        out_shape=(
            jax.ShapeDtypeStruct((NUM_GRAPHS, 1), jnp.float32),
            jax.ShapeDtypeStruct((NUM_GRAPHS, NODE_SIZE), jnp.float32),
        ),
        scratch_shapes=[
            pltpu.VMEM((2, HBLK, NODE_SIZE), jnp.float32),
            pltpu.SemaphoreType.DMA,
            pltpu.SemaphoreType.DMA,
        ],
    )(batch.reshape(1, N_NODES), x)
    out_t = pl.pallas_call(
        _tc_mlp,
        out_shape=jax.ShapeDtypeStruct((W2.shape[1], NUM_GRAPHS), jnp.float32),
    )(acc, tsum, cnt, u.T, W1.T, b1.reshape(1, -1), W2, b2.reshape(-1, 1))
    return out_t.T

# --- scband reference (transcript-rebuilt; emitter-appended) ---
"""Pipeline reference for scband-global-model-19404662243987 (READ-ONLY COPY).

The authoritative reference and input builder live on the scoring server;
editing this copy changes nothing except your own understanding.
"""

import jax, jax.numpy as jnp
import numpy as np

NODE_SIZE = 128
GLOBAL_SIZE = 64
HIDDEN_SIZE = 64
N_NODES = 10000
N_EDGES = 320000
D_EDGE = 16
NUM_GRAPHS = 128
INPUT_SIZE = NODE_SIZE + GLOBAL_SIZE


def setup_inputs(seed: int = 0) -> dict:
    key = jax.random.key(seed)
    ks = jax.random.split(key, 9)
    x = jax.random.normal(ks[0], (N_NODES, NODE_SIZE), dtype=jnp.float32)
    edge_index = jax.random.randint(ks[1], (2, N_EDGES), 0, N_NODES, dtype=jnp.int32)
    edge_attr = jax.random.normal(ks[2], (N_EDGES, D_EDGE), dtype=jnp.float32)
    u = jax.random.normal(ks[3], (NUM_GRAPHS, GLOBAL_SIZE), dtype=jnp.float32)
    batch = jnp.sort(jax.random.randint(ks[4], (N_NODES,), 0, NUM_GRAPHS, dtype=jnp.int32))
    # learned params of global_mlp: Linear(input_size, hidden) -> SELU -> Linear(hidden, global_size)
    W1 = jax.random.normal(ks[5], (INPUT_SIZE, HIDDEN_SIZE), dtype=jnp.float32) / np.sqrt(INPUT_SIZE)
    b1 = jnp.zeros((HIDDEN_SIZE,), dtype=jnp.float32)
    W2 = jax.random.normal(ks[6], (HIDDEN_SIZE, GLOBAL_SIZE), dtype=jnp.float32) / np.sqrt(HIDDEN_SIZE)
    b2 = jnp.zeros((GLOBAL_SIZE,), dtype=jnp.float32)
    return {"x": x, "edge_index": edge_index, "edge_attr": edge_attr, "u": u, "batch": batch,
            "W1": W1, "b1": b1, "W2": W2, "b2": b2}


def _scatter_mean(x, idx, num_segments):
    s = jax.ops.segment_sum(x, idx, num_segments=num_segments)
    cnt = jax.ops.segment_sum(jnp.ones((x.shape[0],), x.dtype), idx, num_segments=num_segments)
    return s / jnp.clip(cnt, 1.0, None)[:, None]


def reference(x, edge_index, edge_attr, u, batch, W1, b1, W2, b2):
    # out = cat([u, scatter_mean(x, batch, dim=0)], dim=1)
    mean_x = _scatter_mean(x, batch, u.shape[0])
    out = jnp.concatenate([u, mean_x], axis=1)
    # global_mlp: Linear -> SELU -> Linear
    h = jax.nn.selu(out @ W1 + b1)
    return h @ W2 + b2

if __name__ == "__main__":
    import jax
    _d = setup_inputs()
    print(jax.jit(kernel)(*tuple(_d.values())))

</pallas_src>

<mosaic_0001>
#map = affine_map<(d0, d1) -> (0, 0)>
#map1 = affine_map<(d0, d1) -> (0)>
module attributes {stable_mosaic.version = 14 : i64} {
  func.func @seg_kernel(%arg0: i32, %arg1: i32, %arg2: memref<10000x128xf32, #tpu.memory_space<hbm>>, %arg3: memref<10000xi32, #tpu.memory_space<hbm>>, %arg4: memref<272x128xf32, #tpu.memory_space<hbm>>, %arg5: memref<224x128xf32, #tpu.memory_space<vmem>>, %arg6: memref<224xi32, #tpu.memory_space<vmem>>, %arg7: memref<2x128xi32, #tpu.memory_space<vmem>>, %arg8: memref<16x128xf32, #tpu.memory_space<vmem>>, %arg9: memref<136x128xf32, #tpu.memory_space<vmem_shared>>, %arg10: memref<!tpu.dma_semaphore, #tpu.memory_space<semaphore_mem>>, %arg11: memref<!tpu.dma_semaphore, #tpu.memory_space<semaphore_mem>>, %arg12: memref<!tpu.dma_semaphore, #tpu.memory_space<semaphore_mem>>) attributes {dimension_semantics = [#tpu.dimension_semantics<core_parallel>, #tpu.dimension_semantics<subcore_parallel>], iteration_bounds = array<i64: 2, 16>, scalar_prefetch = 0 : i64, scratch_operands = 8 : i64, tpu.core_type = #tpu.core_type<sc_vector_subcore>, window_params = [{transform_indices = #map}, {transform_indices = #map1}, {transform_indices = #map}]} {
    %mul3A = arith.constant 2 : i32
    %mul3A_0 = arith.muli %arg1, %mul3A : i32
    %add3A = arith.addi %mul3A_0, %arg0 : i32
    %mul3A_1 = arith.constant 224 : i32
    %mul3A_2 = arith.muli %add3A, %mul3A_1 : i32
    %dma_start3A = arith.constant 0 : i32
    %dma_start3A_3 = tpu.memref_slice %arg2[%mul3A_2, %dma_start3A] : memref<10000x128xf32, #tpu.memory_space<hbm>> -> memref<224x128xf32, #tpu.memory_space<hbm>>
    %dma_start3A_4 = arith.constant 0 : i32
    %dma_start3A_5 = tpu.memref_slice %arg2[%mul3A_2, %dma_start3A_4] : memref<10000x128xf32, #tpu.memory_space<hbm>> -> memref<224x128xf32, #tpu.memory_space<hbm>>
    tpu.enqueue_dma source(%dma_start3A_5 : memref<224x128xf32, #tpu.memory_space<hbm>>) target(%arg5 : memref<224x128xf32, #tpu.memory_space<vmem>>) target_semaphore(%arg10 : memref<!tpu.dma_semaphore, #tpu.memory_space<semaphore_mem>>)
    %dma_start3A_6 = tpu.memref_slice %arg3[%mul3A_2] : memref<10000xi32, #tpu.memory_space<hbm>> -> memref<224xi32, #tpu.memory_space<hbm>>
    %dma_start3A_7 = tpu.memref_slice %arg3[%mul3A_2] : memref<10000xi32, #tpu.memory_space<hbm>> -> memref<224xi32, #tpu.memory_space<hbm>>
    tpu.enqueue_dma source(%dma_start3A_7 : memref<224xi32, #tpu.memory_space<hbm>>) target(%arg6 : memref<224xi32, #tpu.memory_space<vmem>>) target_semaphore(%arg11 : memref<!tpu.dma_semaphore, #tpu.memory_space<semaphore_mem>>)
    %broadcast_in_dim3A = arith.constant 0.000000e+00 : f32
    %broadcast_in_dim3A_8 = vector.broadcast %broadcast_in_dim3A : f32 to vector<16xf32>
    %swap3A = arith.constant 0 : i32
    %swap3A_9 = arith.index_cast %swap3A : i32 to index
    %swap3A_10 = arith.constant 0 : index
    %swap3A_11 = tpu.vector_load %arg8[%swap3A_9, %swap3A_10] {strides = array<i32>} : memref<16x128xf32, #tpu.memory_space<vmem>>, vector<1x16xf32>,
    %swap3A_12 = vector.shape_cast %swap3A_11 : vector<1x16xf32> to vector<16xf32>
    %swap3A_13 = vector.shape_cast %broadcast_in_dim3A_8 : vector<16xf32> to vector<1x16xf32>
    tpu.vector_store %arg8[%swap3A_9, %swap3A_10], %swap3A_13 {strides = array<i32>} : memref<16x128xf32, #tpu.memory_space<vmem>>, vector<1x16xf32>,
    %swap3A_14 = arith.constant 0 : i32
    %swap3A_15 = arith.index_cast %swap3A_14 : i32 to index
    %swap3A_16 = arith.constant 16 : index
    %swap3A_17 = tpu.vector_load %arg8[%swap3A_15, %swap3A_16] {strides = array<i32>} : memref<16x128xf32, #tpu.memory_space<vmem>>, vector<1x16xf32>,
    %swap3A_18 = vector.shape_cast %swap3A_17 : vector<1x16xf32> to vector<16xf32>
    %swap3A_19 = vector.shape_cast %broadcast_in_dim3A_8 : vector<16xf32> to vector<1x16xf32>
    tpu.vector_store %arg8[%swap3A_15, %swap3A_16], %swap3A_19 {strides = array<i32>} : memref<16x128xf32, #tpu.memory_space<vmem>>, vector<1x16xf32>,
    %swap3A_20 = arith.constant 0 : i32
    %swap3A_21 = arith.index_cast %swap3A_20 : i32 to index
    %swap3A_22 = arith.constant 32 : index
    %swap3A_23 = tpu.vector_load %arg8[%swap3A_21, %swap3A_22] {strides = array<i32>} : memref<16x128xf32, #tpu.memory_space<vmem>>, vector<1x16xf32>,
    %swap3A_24 = vector.shape_cast %swap3A_23 : vector<1x16xf32> to vector<16xf32>
    %swap3A_25 = vector.shape_cast %broadcast_in_dim3A_8 : vector<16xf32> to vector<1x16xf32>
    tpu.vector_store %arg8[%swap3A_21, %swap3A_22], %swap3A_25 {strides = array<i32>} : memref<16x128xf32, #tpu.memory_space<vmem>>, vector<1x16xf32>,
    %swap3A_26 = arith.constant 0 : i32
    %swap3A_27 = arith.index_cast %swap3A_26 : i32 to index
    %swap3A_28 = arith.constant 48 : index
    %swap3A_29 = tpu.vector_load %arg8[%swap3A_27, %swap3A_28] {strides = array<i32>} : memref<16x128xf32, #tpu.memory_space<vmem>>, vector<1x16xf32>,
    %swap3A_30 = vector.shape_cast %swap3A_29 : vector<1x16xf32> to vector<16xf32>
    %swap3A_31 = vector.shape_cast %broadcast_in_dim3A_8 : vector<16xf32> to vector<1x16xf32>
    tpu.vector_store %arg8[%swap3A_27, %swap3A_28], %swap3A_31 {strides = array<i32>} : memref<16x128xf32, #tpu.memory_space<vmem>>, vector<1x16xf32>,
    %swap3A_32 = arith.constant 0 : i32
    %swap3A_33 = arith.index_cast %swap3A_32 : i32 to index
    %swap3A_34 = arith.constant 64 : index
    %swap3A_35 = tpu.vector_load %arg8[%swap3A_33, %swap3A_34] {strides = array<i32>} : memref<16x128xf32, #tpu.memory_space<vmem>>, vector<1x16xf32>,
    %swap3A_36 = vector.shape_cast %swap3A_35 : vector<1x16xf32> to vector<16xf32>
    %swap3A_37 = vector.shape_cast %broadcast_in_dim3A_8 : vector<16xf32> to vector<1x16xf32>
    tpu.vector_store %arg8[%swap3A_33, %swap3A_34], %swap3A_37 {strides = array<i32>} : memref<16x128xf32, #tpu.memory_space<vmem>>, vector<1x16xf32>,
    %swap3A_38 = arith.constant 0 : i32
    %swap3A_39 = arith.index_cast %swap3A_38 : i32 to index
    %swap3A_40 = arith.constant 80 : index
    %swap3A_41 = tpu.vector_load %arg8[%swap3A_39, %swap3A_40] {strides = array<i32>} : memref<16x128xf32, #tpu.memory_space<vmem>>, vector<1x16xf32>,
    %swap3A_42 = vector.shape_cast %swap3A_41 : vector<1x16xf32> to vector<16xf32>
    %swap3A_43 = vector.shape_cast %broadcast_in_dim3A_8 : vector<16xf32> to vector<1x16xf32>
    tpu.vector_store %arg8[%swap3A_39, %swap3A_40], %swap3A_43 {strides = array<i32>} : memref<16x128xf32, #tpu.memory_space<vmem>>, vector<1x16xf32>,
    %swap3A_44 = arith.constant 0 : i32
    %swap3A_45 = arith.index_cast %swap3A_44 : i32 to index
    %swap3A_46 = arith.constant 96 : index
    %swap3A_47 = tpu.vector_load %arg8[%swap3A_45, %swap3A_46] {strides = array<i32>} : memref<16x128xf32, #tpu.memory_space<vmem>>, vector<1x16xf32>,
    %swap3A_48 = vector.shape_cast %swap3A_47 : vector<1x16xf32> to vector<16xf32>
    %swap3A_49 = vector.shape_cast %broadcast_in_dim3A_8 : vector<16xf32> to vector<1x16xf32>
    tpu.vector_store %arg8[%swap3A_45, %swap3A_46], %swap3A_49 {strides = array<i32>} : memref<16x128xf32, #tpu.memory_space<vmem>>, vector<1x16xf32>,
    %swap3A_50 = arith.constant 0 : i32
    %swap3A_51 = arith.index_cast %swap3A_50 : i32 to index
    %swap3A_52 = arith.constant 112 : index
    %swap3A_53 = tpu.vector_load %arg8[%swap3A_51, %swap3A_52] {strides = array<i32>} : memref<16x128xf32, #tpu.memory_space<vmem>>, vector<1x16xf32>,
    %swap3A_54 = vector.shape_cast %swap3A_53 : vector<1x16xf32> to vector<16xf32>
    %swap3A_55 = vector.shape_cast %broadcast_in_dim3A_8 : vector<16xf32> to vector<1x16xf32>
    tpu.vector_store %arg8[%swap3A_51, %swap3A_52], %swap3A_55 {strides = array<i32>} : memref<16x128xf32, #tpu.memory_space<vmem>>, vector<1x16xf32>,
    %swap3A_56 = arith.constant 1 : i32
    %swap3A_57 = arith.index_cast %swap3A_56 : i32 to index
    %swap3A_58 = arith.constant 0 : index
    %swap3A_59 = tpu.vector_load %arg8[%swap3A_57, %swap3A_58] {strides = array<i32>} : memref<16x128xf32, #tpu.memory_space<vmem>>, vector<1x16xf32>,
    %swap3A_60 = vector.shape_cast %swap3A_59 : vector<1x16xf32> to vector<16xf32>
    %swap3A_61 = vector.shape_cast %broadcast_in_dim3A_8 : vector<16xf32> to vector<1x16xf32>
    tpu.vector_store %arg8[%swap3A_57, %swap3A_58], %swap3A_61 {strides = array<i32>} : memref<16x128xf32, #tpu.memory_space<vmem>>, vector<1x16xf32>,
    %swap3A_62 = arith.constant 1 : i32
    %swap3A_63 = arith.index_cast %swap3A_62 : i32 to index
    %swap3A_64 = arith.constant 16 : index
    %swap3A_65 = tpu.vector_load %arg8[%swap3A_63, %swap3A_64] {strides = array<i32>} : memref<16x128xf32, #tpu.memory_space<vmem>>, vector<1x16xf32>,
    %swap3A_66 = vector.shape_cast %swap3A_65 : vector<1x16xf32> to vector<16xf32>
    %swap3A_67 = vector.shape_cast %broadcast_in_dim3A_8 : vector<16xf32> to vector<1x16xf32>
    tpu.vector_store %arg8[%swap3A_63, %swap3A_64], %swap3A_67 {strides = array<i32>} : memref<16x128xf32, #tpu.memory_space<vmem>>, vector<1x16xf32>,
    %swap3A_68 = arith.constant 1 : i32
    %swap3A_69 = arith.index_cast %swap3A_68 : i32 to index
    %swap3A_70 = arith.constant 32 : index
    %swap3A_71 = tpu.vector_load %arg8[%swap3A_69, %swap3A_70] {strides = array<i32>} : memref<16x128xf32, #tpu.memory_space<vmem>>, vector<1x16xf32>,
    %swap3A_72 = vector.shape_cast %swap3A_71 : vector<1x16xf32> to vector<16xf32>
    %swap3A_73 = vector.shape_cast %broadcast_in_dim3A_8 : vector<16xf32> to vector<1x16xf32>
    tpu.vector_store %arg8[%swap3A_69, %swap3A_70], %swap3A_73 {strides = array<i32>} : memref<16x128xf32, #tpu.memory_space<vmem>>, vector<1x16xf32>,
    %swap3A_74 = arith.constant 1 : i32
    %swap3A_75 = arith.index_cast %swap3A_74 : i32 to index
    %swap3A_76 = arith.constant 48 : index
    %swap3A_77 = tpu.vector_load %arg8[%swap3A_75, %swap3A_76] {strides = array<i32>} : memref<16x128xf32, #tpu.memory_space<vmem>>, vector<1x16xf32>,
    %swap3A_78 = vector.shape_cast %swap3A_77 : vector<1x16xf32> to vector<16xf32>
    %swap3A_79 = vector.shape_cast %broadcast_in_dim3A_8 : vector<16xf32> to vector<1x16xf32>
    tpu.vector_store %arg8[%swap3A_75, %swap3A_76], %swap3A_79 {strides = array<i32>} : memref<16x128xf32, #tpu.memory_space<vmem>>, vector<1x16xf32>,
    %swap3A_80 = arith.constant 1 : i32
    %swap3A_81 = arith.index_cast %swap3A_80 : i32 to index
    %swap3A_82 = arith.constant 64 : index
    %swap3A_83 = tpu.vector_load %arg8[%swap3A_81, %swap3A_82] {strides = array<i32>} : memref<16x128xf32, #tpu.memory_space<vmem>>, vector<1x16xf32>,
    %swap3A_84 = vector.shape_cast %swap3A_83 : vector<1x16xf32> to vector<16xf32>
    %swap3A_85 = vector.shape_cast %broadcast_in_dim3A_8 : vector<16xf32> to vector<1x16xf32>
    tpu.vector_store %arg8[%swap3A_81, %swap3A_82], %swap3A_85 {strides = array<i32>} : memref<16x128xf32, #tpu.memory_space<vmem>>, vector<1x16xf32>,
    %swap3A_86 = arith.constant 1 : i32
    %swap3A_87 = arith.index_cast %swap3A_86 : i32 to index
    %swap3A_88 = arith.constant 80 : index
    %swap3A_89 = tpu.vector_load %arg8[%swap3A_87, %swap3A_88] {strides = array<i32>} : memref<16x128xf32, #tpu.memory_space<vmem>>, vector<1x16xf32>,
    %swap3A_90 = vector.shape_cast %swap3A_89 : vector<1x16xf32> to vector<16xf32>
    %swap3A_91 = vector.shape_cast %broadcast_in_dim3A_8 : vector<16xf32> to vector<1x16xf32>
    tpu.vector_store %arg8[%swap3A_87, %swap3A_88], %swap3A_91 {strides = array<i32>} : memref<16x128xf32, #tpu.memory_space<vmem>>, vector<1x16xf32>,
    %swap3A_92 = arith.constant 1 : i32
    %swap3A_93 = arith.index_cast %swap3A_92 : i32 to index
    %swap3A_94 = arith.constant 96 : index
    %swap3A_95 = tpu.vector_load %arg8[%swap3A_93, %swap3A_94] {strides = array<i32>} : memref<16x128xf32, #tpu.memory_space<vmem>>, vector<1x16xf32>,
    %swap3A_96 = vector.shape_cast %swap3A_95 : vector<1x16xf32> to vector<16xf32>
    %swap3A_97 = vector.shape_cast %broadcast_in_dim3A_8 : vector<16xf32> to vector<1x16xf32>
    tpu.vector_store %arg8[%swap3A_93, %swap3A_94], %swap3A_97 {strides = array<i32>} : memref<16x128xf32, #tpu.memory_space<vmem>>, vector<1x16xf32>,
    %swap3A_98 = arith.constant 1 : i32
    %swap3A_99 = arith.index_cast %swap3A_98 : i32 to index
    %swap3A_100 = arith.constant 112 : index
    %swap3A_101 = tpu.vector_load %arg8[%swap3A_99, %swap3A_100] {strides = array<i32>} : memref<16x128xf32, #tpu.memory_space<vmem>>, vector<1x16xf32>,
    %swap3A_102 = vector.shape_cast %swap3A_101 : vector<1x16xf32> to vector<16xf32>
    %swap3A_103 = vector.shape_cast %broadcast_in_dim3A_8 : vector<16xf32> to vector<1x16xf32>
    tpu.vector_store %arg8[%swap3A_99, %swap3A_100], %swap3A_103 {strides = array<i32>} : memref<16x128xf32, #tpu.memory_space<vmem>>, vector<1x16xf32>,
    %swap3A_104 = arith.constant 2 : i32
    %swap3A_105 = arith.index_cast %swap3A_104 : i32 to index
    %swap3A_106 = arith.constant 0 : index
    %swap3A_107 = tpu.vector_load %arg8[%swap3A_105, %swap3A_106] {strides = array<i32>} : memref<16x128xf32, #tpu.memory_space<vmem>>, vector<1x16xf32>,
    %swap3A_108 = vector.shape_cast %swap3A_107 : vector<1x16xf32> to vector<16xf32>
    %swap3A_109 = vector.shape_cast %broadcast_in_dim3A_8 : vector<16xf32> to vector<1x16xf32>
    tpu.vector_store %arg8[%swap3A_105, %swap3A_106], %swap3A_109 {strides = array<i32>} : memref<16x128xf32, #tpu.memory_space<vmem>>, vector<1x16xf32>,
    %swap3A_110 = arith.constant 2 : i32
    %swap3A_111 = arith.index_cast %swap3A_110 : i32 to index
    %swap3A_112 = arith.constant 16 : index
    %swap3A_113 = tpu.vector_load %arg8[%swap3A_111, %swap3A_112] {strides = array<i32>} : memref<16x128xf32, #tpu.memory_space<vmem>>, vector<1x16xf32>,
    %swap3A_114 = vector.shape_cast %swap3A_113 : vector<1x16xf32> to vector<16xf32>
    %swap3A_115 = vector.shape_cast %broadcast_in_dim3A_8 : vector<16xf32> to vector<1x16xf32>
    tpu.vector_store %arg8[%swap3A_111, %swap3A_112], %swap3A_115 {strides = array<i32>} : memref<16x128xf32, #tpu.memory_space<vmem>>, vector<1x16xf32>,
    %swap3A_116 = arith.constant 2 : i32
    %swap3A_117 = arith.index_cast %swap3A_116 : i32 to index
    %swap3A_118 = arith.constant 32 : index
    %swap3A_119 = tpu.vector_load %arg8[%swap3A_117, %swap3A_118] {strides = array<i32>} : memref<16x128xf32, #tpu.memory_space<vmem>>, vector<1x16xf32>,
    %swap3A_120 = vector.shape_cast %swap3A_119 : vector<1x16xf32> to vector<16xf32>
    %swap3A_121 = vector.shape_cast %broadcast_in_dim3A_8 : vector<16xf32> to vector<1x16xf32>
    tpu.vector_store %arg8[%swap3A_117, %swap3A_118], %swap3A_121 {strides = array<i32>} : memref<16x128xf32, #tpu.memory_space<vmem>>, vector<1x16xf32>,
    %swap3A_122 = arith.constant 2 : i32
    %swap3A_123 = arith.index_cast %swap3A_122 : i32 to index
    %swap3A_124 = arith.constant 48 : index
    %swap3A_125 = tpu.vector_load %arg8[%swap3A_123, %swap3A_124] {strides = array<i32>} : memref<16x128xf32, #tpu.memory_space<vmem>>, vector<1x16xf32>,
    %swap3A_126 = vector.shape_cast %swap3A_125 : vector<1x16xf32> to vector<16xf32>
    %swap3A_127 = vector.shape_cast %broadcast_in_dim3A_8 : vector<16xf32> to vector<1x16xf32>
    tpu.vector_store %arg8[%swap3A_123, %swap3A_124], %swap3A_127 {strides = array<i32>} : memref<16x128xf32, #tpu.memory_space<vmem>>, vector<1x16xf32>,
    %swap3A_128 = arith.constant 2 : i32
    %swap3A_129 = arith.index_cast %swap3A_128 : i32 to index
    %swap3A_130 = arith.constant 64 : index
    %swap3A_131 = tpu.vector_load %arg8[%swap3A_129, %swap3A_130] {strides = array<i32>} : memref<16x128xf32, #tpu.memory_space<vmem>>, vector<1x16xf32>,
    %swap3A_132 = vector.shape_cast %swap3A_131 : vector<1x16xf32> to vector<16xf32>
    %swap3A_133 = vector.shape_cast %broadcast_in_dim3A_8 : vector<16xf32> to vector<1x16xf32>
    tpu.vector_store %arg8[%swap3A_129, %swap3A_130], %swap3A_133 {strides = array<i32>} : memref<16x128xf32, #tpu.memory_space<vmem>>, vector<1x16xf32>,
    %swap3A_134 = arith.constant 2 : i32
    %swap3A_135 = arith.index_cast %swap3A_134 : i32 to index
    %swap3A_136 = arith.constant 80 : index
    %swap3A_137 = tpu.vector_load %arg8[%swap3A_135, %swap3A_136] {strides = array<i32>} : memref<16x128xf32, #tpu.memory_space<vmem>>, vector<1x16xf32>,
    %swap3A_138 = vector.shape_cast %swap3A_137 : vector<1x16xf32> to vector<16xf32>
    %swap3A_139 = vector.shape_cast %broadcast_in_dim3A_8 : vector<16xf32> to vector<1x16xf32>
    tpu.vector_store %arg8[%swap3A_135, %swap3A_136], %swap3A_139 {strides = array<i32>} : memref<16x128xf32, #tpu.memory_space<vmem>>, vector<1x16xf32>,
    %swap3A_140 = arith.constant 2 : i32
    %swap3A_141 = arith.index_cast %swap3A_140 : i32 to index
    %swap3A_142 = arith.constant 96 : index
    %swap3A_143 = tpu.vector_load %arg8[%swap3A_141, %swap3A_142] {strides = array<i32>} : memref<16x128xf32, #tpu.memory_space<vmem>>, vector<1x16xf32>,
    %swap3A_144 = vector.shape_cast %swap3A_143 : vector<1x16xf32> to vector<16xf32>
    %swap3A_145 = vector.shape_cast %broadcast_in_dim3A_8 : vector<16xf32> to vector<1x16xf32>
    tpu.vector_store %arg8[%swap3A_141, %swap3A_142], %swap3A_145 {strides = array<i32>} : memref<16x128xf32, #tpu.memory_space<vmem>>, vector<1x16xf32>,
    %swap3A_146 = arith.constant 2 : i32
    %swap3A_147 = arith.index_cast %swap3A_146 : i32 to index
    %swap3A_148 = arith.constant 112 : index
    %swap3A_149 = tpu.vector_load %arg8[%swap3A_147, %swap3A_148] {strides = array<i32>} : memref<16x128xf32, #tpu.memory_space<vmem>>, vector<1x16xf32>,
    %swap3A_150 = vector.shape_cast %swap3A_149 : vector<1x16xf32> to vector<16xf32>
    %swap3A_151 = vector.shape_cast %broadcast_in_dim3A_8 : vector<16xf32> to vector<1x16xf32>
    tpu.vector_store %arg8[%swap3A_147, %swap3A_148], %swap3A_151 {strides = array<i32>} : memref<16x128xf32, #tpu.memory_space<vmem>>, vector<1x16xf32>,
    %swap3A_152 = arith.constant 3 : i32
    %swap3A_153 = arith.index_cast %swap3A_152 : i32 to index
    %swap3A_154 = arith.constant 0 : index
    %swap3A_155 = tpu.vector_load %arg8[%swap3A_153, %swap3A_154] {strides = array<i32>} : memref<16x128xf32, #tpu.memory_space<vmem>>, vector<1x16xf32>,
    %swap3A_156 = vector.shape_cast %swap3A_155 : vector<1x16xf32> to vector<16xf32>
    %swap3A_157 = vector.shape_cast %broadcast_in_dim3A_8 : vector<16xf32> to vector<1x16xf32>
    tpu.vector_store %arg8[%swap3A_153, %swap3A_154], %swap3A_157 {strides = array<i32>} : memref<16x128xf32, #tpu.memory_space<vmem>>, vector<1x16xf32>,
    %swap3A_158 = arith.constant 3 : i32
    %swap3A_159 = arith.index_cast %swap3A_158 : i32 to index
    %swap3A_160 = arith.constant 16 : index
    %swap3A_161 = tpu.vector_load %arg8[%swap3A_159, %swap3A_160] {strides = array<i32>} : memref<16x128xf32, #tpu.memory_space<vmem>>, vector<1x16xf32>,
    %swap3A_162 = vector.shape_cast %swap3A_161 : vector<1x16xf32> to vector<16xf32>
    %swap3A_163 = vector.shape_cast %broadcast_in_dim3A_8 : vector<16xf32> to vector<1x16xf32>
    tpu.vector_store %arg8[%swap3A_159, %swap3A_160], %swap3A_163 {strides = array<i32>} : memref<16x128xf32, #tpu.memory_space<vmem>>, vector<1x16xf32>,
    %swap3A_164 = arith.constant 3 : i32
    %swap3A_165 = arith.index_cast %swap3A_164 : i32 to index
    %swap3A_166 = arith.constant 32 : index
    %swap3A_167 = tpu.vector_load %arg8[%swap3A_165, %swap3A_166] {strides = array<i32>} : memref<16x128xf32, #tpu.memory_space<vmem>>, vector<1x16xf32>,
    %swap3A_168 = vector.shape_cast %swap3A_167 : vector<1x16xf32> to vector<16xf32>
    %swap3A_169 = vector.shape_cast %broadcast_in_dim3A_8 : vector<16xf32> to vector<1x16xf32>
    tpu.vector_store %arg8[%swap3A_165, %swap3A_166], %swap3A_169 {strides = array<i32>} : memref<16x128xf32, #tpu.memory_space<vmem>>, vector<1x16xf32>,
    %swap3A_170 = arith.constant 3 : i32
    %swap3A_171 = arith.index_cast %swap3A_170 : i32 to index
    %swap3A_172 = arith.constant 48 : index
    %swap3A_173 = tpu.vector_load %arg8[%swap3A_171, %swap3A_172] {strides = array<i32>} : memref<16x128xf32, #tpu.memory_space<vmem>>, vector<1x16xf32>,
    %swap3A_174 = vector.shape_cast %swap3A_173 : vector<1x16xf32> to vector<16xf32>
    %swap3A_175 = vector.shape_cast %broadcast_in_dim3A_8 : vector<16xf32> to vector<1x16xf32>
    tpu.vector_store %arg8[%swap3A_171, %swap3A_172], %swap3A_175 {strides = array<i32>} : memref<16x128xf32, #tpu.memory_space<vmem>>, vector<1x16xf32>,
    %swap3A_176 = arith.constant 3 : i32
    %swap3A_177 = arith.index_cast %swap3A_176 : i32 to index
    %swap3A_178 = arith.constant 64 : index
    %swap3A_179 = tpu.vector_load %arg8[%swap3A_177, %swap3A_178] {strides = array<i32>} : memref<16x128xf32, #tpu.memory_space<vmem>>, vector<1x16xf32>,
    %swap3A_180 = vector.shape_cast %swap3A_179 : vector<1x16xf32> to vector<16xf32>
    %swap3A_181 = vector.shape_cast %broadcast_in_dim3A_8 : vector<16xf32> to vector<1x16xf32>
    tpu.vector_store %arg8[%swap3A_177, %swap3A_178], %swap3A_181 {strides = array<i32>} : memref<16x128xf32, #tpu.memory_space<vmem>>, vector<1x16xf32>,
    %swap3A_182 = arith.constant 3 : i32
    %swap3A_183 = arith.index_cast %swap3A_182 : i32 to index
    %swap3A_184 = arith.constant 80 : index
    %swap3A_185 = tpu.vector_load %arg8[%swap3A_183, %swap3A_184] {strides = array<i32>} : memref<16x128xf32, #tpu.memory_space<vmem>>, vector<1x16xf32>,
    %swap3A_186 = vector.shape_cast %swap3A_185 : vector<1x16xf32> to vector<16xf32>
    %swap3A_187 = vector.shape_cast %broadcast_in_dim3A_8 : vector<16xf32> to vector<1x16xf32>
    tpu.vector_store %arg8[%swap3A_183, %swap3A_184], %swap3A_187 {strides = array<i32>} : memref<16x128xf32, #tpu.memory_space<vmem>>, vector<1x16xf32>,
    %swap3A_188 = arith.constant 3 : i32
    %swap3A_189 = arith.index_cast %swap3A_188 : i32 to index
    %swap3A_190 = arith.constant 96 : index
    %swap3A_191 = tpu.vector_load %arg8[%swap3A_189, %swap3A_190] {strides = array<i32>} : memref<16x128xf32, #tpu.memory_space<vmem>>, vector<1x16xf32>,
    %swap3A_192 = vector.shape_cast %swap3A_191 : vector<1x16xf32> to vector<16xf32>
    %swap3A_193 = vector.shape_cast %broadcast_in_dim3A_8 : vector<16xf32> to vector<1x16xf32>
    tpu.vector_store %arg8[%swap3A_189, %swap3A_190], %swap3A_193 {strides = array<i32>} : memref<16x128xf32, #tpu.memory_space<vmem>>, vector<1x16xf32>,
    %swap3A_194 = arith.constant 3 : i32
    %swap3A_195 = arith.index_cast %swap3A_194 : i32 to index
    %swap3A_196 = arith.constant 112 : index
    %swap3A_197 = tpu.vector_load %arg8[%swap3A_195, %swap3A_196] {strides = array<i32>} : memref<16x128xf32, #tpu.memory_space<vmem>>, vector<1x16xf32>,
    %swap3A_198 = vector.shape_cast %swap3A_197 : vector<1x16xf32> to vector<16xf32>
    %swap3A_199 = vector.shape_cast %broadcast_in_dim3A_8 : vector<16xf32> to vector<1x16xf32>
    tpu.vector_store %arg8[%swap3A_195, %swap3A_196], %swap3A_199 {strides = array<i32>} : memref<16x128xf32, #tpu.memory_space<vmem>>, vector<1x16xf32>,
    %swap3A_200 = arith.constant 4 : i32
    %swap3A_201 = arith.index_cast %swap3A_200 : i32 to index
    %swap3A_202 = arith.constant 0 : index
    %swap3A_203 = tpu.vector_load %arg8[%swap3A_201, %swap3A_202] {strides = array<i32>} : memref<16x128xf32, #tpu.memory_space<vmem>>, vector<1x16xf32>,
    %swap3A_204 = vector.shape_cast %swap3A_203 : vector<1x16xf32> to vector<16xf32>
    %swap3A_205 = vector.shape_cast %broadcast_in_dim3A_8 : vector<16xf32> to vector<1x16xf32>
    tpu.vector_store %arg8[%swap3A_201, %swap3A_202], %swap3A_205 {strides = array<i32>} : memref<16x128xf32, #tpu.memory_space<vmem>>, vector<1x16xf32>,
    %swap3A_206 = arith.constant 4 : i32
    %swap3A_207 = arith.index_cast %swap3A_206 : i32 to index
    %swap3A_208 = arith.constant 16 : index
    %swap3A_209 = tpu.vector_load %arg8[%swap3A_207, %swap3A_208] {strides = array<i32>} : memref<16x128xf32, #tpu.memory_space<vmem>>, vector<1x16xf32>,
    %swap3A_210 = vector.shape_cast %swap3A_209 : vector<1x16xf32> to vector<16xf32>
    %swap3A_211 = vector.shape_cast %broadcast_in_dim3A_8 : vector<16xf32> to vector<1x16xf32>
    tpu.vector_store %arg8[%swap3A_207, %swap3A_208], %swap3A_211 {strides = array<i32>} : memref<16x128xf32, #tpu.memory_space<vmem>>, vector<1x16xf32>,
    %swap3A_212 = arith.constant 4 : i32
    %swap3A_213 = arith.index_cast %swap3A_212 : i32 to index
    %swap3A_214 = arith.constant 32 : index
    %swap3A_215 = tpu.vector_load %arg8[%swap3A_213, %swap3A_214] {strides = array<i32>} : memref<16x128xf32, #tpu.memory_space<vmem>>, vector<1x16xf32>,
    %swap3A_216 = vector.shape_cast %swap3A_215 : vector<1x16xf32> to vector<16xf32>
    %swap3A_217 = vector.shape_cast %broadcast_in_dim3A_8 : vector<16xf32> to vector<1x16xf32>
    tpu.vector_store %arg8[%swap3A_213, %swap3A_214], %swap3A_217 {strides = array<i32>} : memref<16x128xf32, #tpu.memory_space<vmem>>, vector<1x16xf32>,
    %swap3A_218 = arith.constant 4 : i32
    %swap3A_219 = arith.index_cast %swap3A_218 : i32 to index
    %swap3A_220 = arith.constant 48 : index
    %swap3A_221 = tpu.vector_load %arg8[%swap3A_219, %swap3A_220] {strides = array<i32>} : memref<16x128xf32, #tpu.memory_space<vmem>>, vector<1x16xf32>,
    %swap3A_222 = vector.shape_cast %swap3A_221 : vector<1x16xf32> to vector<16xf32>
    %swap3A_223 = vector.shape_cast %broadcast_in_dim3A_8 : vector<16xf32> to vector<1x16xf32>
    tpu.vector_store %arg8[%swap3A_219, %swap3A_220], %swap3A_223 {strides = array<i32>} : memref<16x128xf32, #tpu.memory_space<vmem>>, vector<1x16xf32>,
    %swap3A_224 = arith.constant 4 : i32
    %swap3A_225 = arith.index_cast %swap3A_224 : i32 to index
    %swap3A_226 = arith.constant 64 : index
    %swap3A_227 = tpu.vector_load %arg8[%swap3A_225, %swap3A_226] {strides = array<i32>} : memref<16x128xf32, #tpu.memory_space<vmem>>, vector<1x16xf32>,
    %swap3A_228 = vector.shape_cast %swap3A_227 : vector<1x16xf32> to vector<16xf32>
    %swap3A_229 = vector.shape_cast %broadcast_in_dim3A_8 : vector<16xf32> to vector<1x16xf32>
    tpu.vector_store %arg8[%swap3A_225, %swap3A_226], %swap3A_229 {strides = array<i32>} : memref<16x128xf32, #tpu.memory_space<vmem>>, vector<1x16xf32>,
    %swap3A_230 = arith.constant 4 : i32
    %swap3A_231 = arith.index_cast %swap3A_230 : i32 to index
    %swap3A_232 = arith.constant 80 : index
    %swap3A_233 = tpu.vector_load %arg8[%swap3A_231, %swap3A_232] {strides = array<i32>} : memref<16x128xf32, #tpu.memory_space<vmem>>, vector<1x16xf32>,
    %swap3A_234 = vector.shape_cast %swap3A_233 : vector<1x16xf32> to vector<16xf32>
    %swap3A_235 = vector.shape_cast %broadcast_in_dim3A_8 : vector<16xf32> to vector<1x16xf32>
    tpu.vector_store %arg8[%swap3A_231, %swap3A_232], %swap3A_235 {strides = array<i32>} : memref<16x128xf32, #tpu.memory_space<vmem>>, vector<1x16xf32>,
    %swap3A_236 = arith.constant 4 : i32
    %swap3A_237 = arith.index_cast %swap3A_236 : i32 to index
    %swap3A_238 = arith.constant 96 : index
    %swap3A_239 = tpu.vector_load %arg8[%swap3A_237, %swap3A_238] {strides = array<i32>} : memref<16x128xf32, #tpu.memory_space<vmem>>, vector<1x16xf32>,
    %swap3A_240 = vector.shape_cast %swap3A_239 : vector<1x16xf32> to vector<16xf32>
    %swap3A_241 = vector.shape_cast %broadcast_in_dim3A_8 : vector<16xf32> to vector<1x16xf32>
    tpu.vector_store %arg8[%swap3A_237, %swap3A_238], %swap3A_241 {strides = array<i32>} : memref<16x128xf32, #tpu.memory_space<vmem>>, vector<1x16xf32>,
    %swap3A_242 = arith.constant 4 : i32
    %swap3A_243 = arith.index_cast %swap3A_242 : i32 to index
    %swap3A_244 = arith.constant 112 : index
    %swap3A_245 = tpu.vector_load %arg8[%swap3A_243, %swap3A_244] {strides = array<i32>} : memref<16x128xf32, #tpu.memory_space<vmem>>, vector<1x16xf32>,
    %swap3A_246 = vector.shape_cast %swap3A_245 : vector<1x16xf32> to vector<16xf32>
    %swap3A_247 = vector.shape_cast %broadcast_in_dim3A_8 : vector<16xf32> to vector<1x16xf32>
    tpu.vector_store %arg8[%swap3A_243, %swap3A_244], %swap3A_247 {strides = array<i32>} : memref<16x128xf32, #tpu.memory_space<vmem>>, vector<1x16xf32>,
    %swap3A_248 = arith.constant 5 : i32
    %swap3A_249 = arith.index_cast %swap3A_248 : i32 to index
    %swap3A_250 = arith.constant 0 : index
    %swap3A_251 = tpu.vector_load %arg8[%swap3A_249, %swap3A_250] {strides = array<i32>} : memref<16x128xf32, #tpu.memory_space<vmem>>, vector<1x16xf32>,
    %swap3A_252 = vector.shape_cast %swap3A_251 : vector<1x16xf32> to vector<16xf32>
    %swap3A_253 = vector.shape_cast %broadcast_in_dim3A_8 : vector<16xf32> to vector<1x16xf32>
    tpu.vector_store %arg8[%swap3A_249, %swap3A_250], %swap3A_253 {strides = array<i32>} : memref<16x128xf32, #tpu.memory_space<vmem>>, vector<1x16xf32>,
    %swap3A_254 = arith.constant 5 : i32
    %swap3A_255 = arith.index_cast %swap3A_254 : i32 to index
    %swap3A_256 = arith.constant 16 : index
    %swap3A_257 = tpu.vector_load %arg8[%swap3A_255, %swap3A_256] {strides = array<i32>} : memref<16x128xf32, #tpu.memory_space<vmem>>, vector<1x16xf32>,
    %swap3A_258 = vector.shape_cast %swap3A_257 : vector<1x16xf32> to vector<16xf32>
    %swap3A_259 = vector.shape_cast %broadcast_in_dim3A_8 : vector<16xf32> to vector<1x16xf32>
    tpu.vector_store %arg8[%swap3A_255, %swap3A_256], %swap3A_259 {strides = array<i32>} : memref<16x128xf32, #tpu.memory_space<vmem>>, vector<1x16xf32>,
    %swap3A_260 = arith.constant 5 : i32
    %swap3A_261 = arith.index_cast %swap3A_260 : i32 to index
    %swap3A_262 = arith.constant 32 : index
    %swap3A_263 = tpu.vector_load %arg8[%swap3A_261, %swap3A_262] {strides = array<i32>} : memref<16x128xf32, #tpu.memory_space<vmem>>, vector<1x16xf32>,
    %swap3A_264 = vector.shape_cast %swap3A_263 : vector<1x16xf32> to vector<16xf32>
    %swap3A_265 = vector.shape_cast %broadcast_in_dim3A_8 : vector<16xf32> to vector<1x16xf32>
    tpu.vector_store %arg8[%swap3A_261, %swap3A_262], %swap3A_265 {strides = array<i32>} : memref<16x128xf32, #tpu.memory_space<vmem>>, vector<1x16xf32>,
    %swap3A_266 = arith.constant 5 : i32
    %swap3A_267 = arith.index_cast %swap3A_266 : i32 to index
    %swap3A_268 = arith.constant 48 : index
    %swap3A_269 = tpu.vector_load %arg8[%swap3A_267, %swap3A_268] {strides = array<i32>} : memref<16x128xf32, #tpu.memory_space<vmem>>, vector<1x16xf32>,
    %swap3A_270 = vector.shape_cast %swap3A_269 : vector<1x16xf32> to vector<16xf32>
    %swap3A_271 = vector.shape_cast %broadcast_in_dim3A_8 : vector<16xf32> to vector<1x16xf32>
    tpu.vector_store %arg8[%swap3A_267, %swap3A_268], %swap3A_271 {strides = array<i32>} : memref<16x128xf32, #tpu.memory_space<vmem>>, vector<1x16xf32>,
    %swap3A_272 = arith.constant 5 : i32
    %swap3A_273 = arith.index_cast %swap3A_272 : i32 to index
    %swap3A_274 = arith.constant 64 : index
    %swap3A_275 = tpu.vector_load %arg8[%swap3A_273, %swap3A_274] {strides = array<i32>} : memref<16x128xf32, #tpu.memory_space<vmem>>, vector<1x16xf32>,
    %swap3A_276 = vector.shape_cast %swap3A_275 : vector<1x16xf32> to vector<16xf32>
    %swap3A_277 = vector.shape_cast %broadcast_in_dim3A_8 : vector<16xf32> to vector<1x16xf32>
    tpu.vector_store %arg8[%swap3A_273, %swap3A_274], %swap3A_277 {strides = array<i32>} : memref<16x128xf32, #tpu.memory_space<vmem>>, vector<1x16xf32>,
    %swap3A_278 = arith.constant 5 : i32
    %swap3A_279 = arith.index_cast %swap3A_278 : i32 to index
    %swap3A_280 = arith.constant 80 : index
    %swap3A_281 = tpu.vector_load %arg8[%swap3A_279, %swap3A_280] {strides = array<i32>} : memref<16x128xf32, #tpu.memory_space<vmem>>, vector<1x16xf32>,
    %swap3A_282 = vector.shape_cast %swap3A_281 : vector<1x16xf32> to vector<16xf32>
    %swap3A_283 = vector.shape_cast %broadcast_in_dim3A_8 : vector<16xf32> to vector<1x16xf32>
    tpu.vector_store %arg8[%swap3A_279, %swap3A_280], %swap3A_283 {strides = array<i32>} : memref<16x128xf32, #tpu.memory_space<vmem>>, vector<1x16xf32>,
    %swap3A_284 = arith.constant 5 : i32
    %swap3A_285 = arith.index_cast %swap3A_284 : i32 to index
    %swap3A_286 = arith.constant 96 : index
    %swap3A_287 = tpu.vector_load %arg8[%swap3A_285, %swap3A_286] {strides = array<i32>} : memref<16x128xf32, #tpu.memory_space<vmem>>, vector<1x16xf32>,
    %swap3A_288 = vector.shape_cast %swap3A_287 : vector<1x16xf32> to vector<16xf32>
    %swap3A_289 = vector.shape_cast %broadcast_in_dim3A_8 : vector<16xf32> to vector<1x16xf32>
    tpu.vector_store %arg8[%swap3A_285, %swap3A_286], %swap3A_289 {strides = array<i32>} : memref<16x128xf32, #tpu.memory_space<vmem>>, vector<1x16xf32>,
    %swap3A_290 = arith.constant 5 : i32
    %swap3A_291 = arith.index_cast %swap3A_290 : i32 to index
    %swap3A_292 = arith.constant 112 : index
    %swap3A_293 = tpu.vector_load %arg8[%swap3A_291, %swap3A_292] {strides = array<i32>} : memref<16x128xf32, #tpu.memory_space<vmem>>, vector<1x16xf32>,
    %swap3A_294 = vector.shape_cast %swap3A_293 : vector<1x16xf32> to vector<16xf32>
    %swap3A_295 = vector.shape_cast %broadcast_in_dim3A_8 : vector<16xf32> to vector<1x16xf32>
    tpu.vector_store %arg8[%swap3A_291, %swap3A_292], %swap3A_295 {strides = array<i32>} : memref<16x128xf32, #tpu.memory_space<vmem>>, vector<1x16xf32>,
    %swap3A_296 = arith.constant 6 : i32
    %swap3A_297 = arith.index_cast %swap3A_296 : i32 to index
    %swap3A_298 = arith.constant 0 : index
    %swap3A_299 = tpu.vector_load %arg8[%swap3A_297, %swap3A_298] {strides = array<i32>} : memref<16x128xf32, #tpu.memory_space<vmem>>, vector<1x16xf32>,
    %swap3A_300 = vector.shape_cast %swap3A_299 : vector<1x16xf32> to vector<16xf32>
    %swap3A_301 = vector.shape_cast %broadcast_in_dim3A_8 : vector<16xf32> to vector<1x16xf32>
    tpu.vector_store %arg8[%swap3A_297, %swap3A_298], %swap3A_301 {strides = array<i32>} : memref<16x128xf32, #tpu.memory_space<vmem>>, vector<1x16xf32>,
    %swap3A_302 = arith.constant 6 : i32
    %swap3A_303 = arith.index_cast %swap3A_302 : i32 to index
    %swap3A_304 = arith.constant 16 : index
    %swap3A_305 = tpu.vector_load %arg8[%swap3A_303, %swap3A_304] {strides = array<i32>} : memref<16x128xf32, #tpu.memory_space<vmem>>, vector<1x16xf32>,
    %swap3A_306 = vector.shape_cast %swap3A_305 : vector<1x16xf32> to vector<16xf32>
    %swap3A_307 = vector.shape_cast %broadcast_in_dim3A_8 : vector<16xf32> to vector<1x16xf32>
    tpu.vector_store %arg8[%swap3A_303, %swap3A_304], %swap3A_307 {strides = array<i32>} : memref<16x128xf32, #tpu.memory_space<vmem>>, vector<1x16xf32>,
    %swap3A_308 = arith.constant 6 : i32
    %swap3A_309 = arith.index_cast %swap3A_308 : i32 to index
    %swap3A_310 = arith.constant 32 : index
    %swap3A_311 = tpu.vector_load %arg8[%swap3A_309, %swap3A_310] {strides = array<i32>} : memref<16x128xf32, #tpu.memory_space<vmem>>, vector<1x16xf32>,
    %swap3A_312 = vector.shape_cast %swap3A_311 : vector<1x16xf32> to vector<16xf32>
    %swap3A_313 = vector.shape_cast %broadcast_in_dim3A_8 : vector<16xf32> to vector<1x16xf32>
    tpu.vector_store %arg8[%swap3A_309, %swap3A_310], %swap3A_313 {strides = array<i32>} : memref<16x128xf32, #tpu.memory_space<vmem>>, vector<1x16xf32>,
    %swap3A_314 = arith.constant 6 : i32
    %swap3A_315 = arith.index_cast %swap3A_314 : i32 to index
    %swap3A_316 = arith.constant 48 : index
    %swap3A_317 = tpu.vector_load %arg8[%swap3A_315, %swap3A_316] {strides = array<i32>} : memref<16x128xf32, #tpu.memory_space<vmem>>, vector<1x16xf32>,
    %swap3A_318 = vector.shape_cast %swap3A_317 : vector<1x16xf32> to vector<16xf32>
    %swap3A_319 = vector.shape_cast %broadcast_in_dim3A_8 : vector<16xf32> to vector<1x16xf32>
    tpu.vector_store %arg8[%swap3A_315, %swap3A_316], %swap3A_319 {strides = array<i32>} : memref<16x128xf32, #tpu.memory_space<vmem>>, vector<1x16xf32>,
    %swap3A_320 = arith.constant 6 : i32
    %swap3A_321 = arith.index_cast %swap3A_320 : i32 to index
    %swap3A_322 = arith.constant 64 : index
    %swap3A_323 = tpu.vector_load %arg8[%swap3A_321, %swap3A_322] {strides = array<i32>} : memref<16x128xf32, #tpu.memory_space<vmem>>, vector<1x16xf32>,
    %swap3A_324 = vector.shape_cast %swap3A_323 : vector<1x16xf32> to vector<16xf32>
    %swap3A_325 = vector.shape_cast %broadcast_in_dim3A_8 : vector<16xf32> to vector<1x16xf32>
    tpu.vector_store %arg8[%swap3A_321, %swap3A_322], %swap3A_325 {strides = array<i32>} : memref<16x128xf32, #tpu.memory_space<vmem>>, vector<1x16xf32>,
    %swap3A_326 = arith.constant 6 : i32
    %swap3A_327 = arith.index_cast %swap3A_326 : i32 to index
    %swap3A_328 = arith.constant 80 : index
    %swap3A_329 = tpu.vector_load %arg8[%swap3A_327, %swap3A_328] {strides = array<i32>} : memref<16x128xf32, #tpu.memory_space<vmem>>, vector<1x16xf32>,
    %swap3A_330 = vector.shape_cast %swap3A_329 : vector<1x16xf32> to vector<16xf32>
    %swap3A_331 = vector.shape_cast %broadcast_in_dim3A_8 : vector<16xf32> to vector<1x16xf32>
    tpu.vector_store %arg8[%swap3A_327, %swap3A_328], %swap3A_331 {strides = array<i32>} : memref<16x128xf32, #tpu.memory_space<vmem>>, vector<1x16xf32>,
    %swap3A_332 = arith.constant 6 : i32
    %swap3A_333 = arith.index_cast %swap3A_332 : i32 to index
    %swap3A_334 = arith.constant 96 : index
    %swap3A_335 = tpu.vector_load %arg8[%swap3A_333, %swap3A_334] {strides = array<i32>} : memref<16x128xf32, #tpu.memory_space<vmem>>, vector<1x16xf32>,
    %swap3A_336 = vector.shape_cast %swap3A_335 : vector<1x16xf32> to vector<16xf32>
    %swap3A_337 = vector.shape_cast %broadcast_in_dim3A_8 : vector<16xf32> to vector<1x16xf32>
    tpu.vector_store %arg8[%swap3A_333, %swap3A_334], %swap3A_337 {strides = array<i32>} : memref<16x128xf32, #tpu.memory_space<vmem>>, vector<1x16xf32>,
    %swap3A_338 = arith.constant 6 : i32
    %swap3A_339 = arith.index_cast %swap3A_338 : i32 to index
    %swap3A_340 = arith.constant 112 : index
    %swap3A_341 = tpu.vector_load %arg8[%swap3A_339, %swap3A_340] {strides = array<i32>} : memref<16x128xf32, #tpu.memory_space<vmem>>, vector<1x16xf32>,
    %swap3A_342 = vector.shape_cast %swap3A_341 : vector<1x16xf32> to vector<16xf32>
    %swap3A_343 = vector.shape_cast %broadcast_in_dim3A_8 : vector<16xf32> to vector<1x16xf32>
    tpu.vector_store %arg8[%swap3A_339, %swap3A_340], %swap3A_343 {strides = array<i32>} : memref<16x128xf32, #tpu.memory_space<vmem>>, vector<1x16xf32>,
    %swap3A_344 = arith.constant 7 : i32
    %swap3A_345 = arith.index_cast %swap3A_344 : i32 to index
    %swap3A_346 = arith.constant 0 : index
    %swap3A_347 = tpu.vector_load %arg8[%swap3A_345, %swap3A_346] {strides = array<i32>} : memref<16x128xf32, #tpu.memory_space<vmem>>, vector<1x16xf32>,
    %swap3A_348 = vector.shape_cast %swap3A_347 : vector<1x16xf32> to vector<16xf32>
    %swap3A_349 = vector.shape_cast %broadcast_in_dim3A_8 : vector<16xf32> to vector<1x16xf32>
    tpu.vector_store %arg8[%swap3A_345, %swap3A_346], %swap3A_349 {strides = array<i32>} : memref<16x128xf32, #tpu.memory_space<vmem>>, vector<1x16xf32>,
    %swap3A_350 = arith.constant 7 : i32
    %swap3A_351 = arith.index_cast %swap3A_350 : i32 to index
    %swap3A_352 = arith.constant 16 : index
    %swap3A_353 = tpu.vector_load %arg8[%swap3A_351, %swap3A_352] {strides = array<i32>} : memref<16x128xf32, #tpu.memory_space<vmem>>, vector<1x16xf32>,
    %swap3A_354 = vector.shape_cast %swap3A_353 : vector<1x16xf32> to vector<16xf32>
    %swap3A_355 = vector.shape_cast %broadcast_in_dim3A_8 : vector<16xf32> to vector<1x16xf32>
    tpu.vector_store %arg8[%swap3A_351, %swap3A_352], %swap3A_355 {strides = array<i32>} : memref<16x128xf32, #tpu.memory_space<vmem>>, vector<1x16xf32>,
    %swap3A_356 = arith.constant 7 : i32
    %swap3A_357 = arith.index_cast %swap3A_356 : i32 to index
    %swap3A_358 = arith.constant 32 : index
    %swap3A_359 = tpu.vector_load %arg8[%swap3A_357, %swap3A_358] {strides = array<i32>} : memref<16x128xf32, #tpu.memory_space<vmem>>, vector<1x16xf32>,
    %swap3A_360 = vector.shape_cast %swap3A_359 : vector<1x16xf32> to vector<16xf32>
    %swap3A_361 = vector.shape_cast %broadcast_in_dim3A_8 : vector<16xf32> to vector<1x16xf32>
    tpu.vector_store %arg8[%swap3A_357, %swap3A_358], %swap3A_361 {strides = array<i32>} : memref<16x128xf32, #tpu.memory_space<vmem>>, vector<1x16xf32>,
    %swap3A_362 = arith.constant 7 : i32
    %swap3A_363 = arith.index_cast %swap3A_362 : i32 to index
    %swap3A_364 = arith.constant 48 : index
    %swap3A_365 = tpu.vector_load %arg8[%swap3A_363, %swap3A_364] {strides = array<i32>} : memref<16x128xf32, #tpu.memory_space<vmem>>, vector<1x16xf32>,
    %swap3A_366 = vector.shape_cast %swap3A_365 : vector<1x16xf32> to vector<16xf32>
    %swap3A_367 = vector.shape_cast %broadcast_in_dim3A_8 : vector<16xf32> to vector<1x16xf32>
    tpu.vector_store %arg8[%swap3A_363, %swap3A_364], %swap3A_367 {strides = array<i32>} : memref<16x128xf32, #tpu.memory_space<vmem>>, vector<1x16xf32>,
    %swap3A_368 = arith.constant 7 : i32
    %swap3A_369 = arith.index_cast %swap3A_368 : i32 to index
    %swap3A_370 = arith.constant 64 : index
    %swap3A_371 = tpu.vector_load %arg8[%swap3A_369, %swap3A_370] {strides = array<i32>} : memref<16x128xf32, #tpu.memory_space<vmem>>, vector<1x16xf32>,
    %swap3A_372 = vector.shape_cast %swap3A_371 : vector<1x16xf32> to vector<16xf32>
    %swap3A_373 = vector.shape_cast %broadcast_in_dim3A_8 : vector<16xf32> to vector<1x16xf32>
    tpu.vector_store %arg8[%swap3A_369, %swap3A_370], %swap3A_373 {strides = array<i32>} : memref<16x128xf32, #tpu.memory_space<vmem>>, vector<1x16xf32>,
    %swap3A_374 = arith.constant 7 : i32
    %swap3A_375 = arith.index_cast %swap3A_374 : i32 to index
    %swap3A_376 = arith.constant 80 : index
    %swap3A_377 = tpu.vector_load %arg8[%swap3A_375, %swap3A_376] {strides = array<i32>} : memref<16x128xf32, #tpu.memory_space<vmem>>, vector<1x16xf32>,
    %swap3A_378 = vector.shape_cast %swap3A_377 : vector<1x16xf32> to vector<16xf32>
    %swap3A_379 = vector.shape_cast %broadcast_in_dim3A_8 : vector<16xf32> to vector<1x16xf32>
    tpu.vector_store %arg8[%swap3A_375, %swap3A_376], %swap3A_379 {strides = array<i32>} : memref<16x128xf32, #tpu.memory_space<vmem>>, vector<1x16xf32>,
    %swap3A_380 = arith.constant 7 : i32
    %swap3A_381 = arith.index_cast %swap3A_380 : i32 to index
    %swap3A_382 = arith.constant 96 : index
    %swap3A_383 = tpu.vector_load %arg8[%swap3A_381, %swap3A_382] {strides = array<i32>} : memref<16x128xf32, #tpu.memory_space<vmem>>, vector<1x16xf32>,
    %swap3A_384 = vector.shape_cast %swap3A_383 : vector<1x16xf32> to vector<16xf32>
    %swap3A_385 = vector.shape_cast %broadcast_in_dim3A_8 : vector<16xf32> to vector<1x16xf32>
    tpu.vector_store %arg8[%swap3A_381, %swap3A_382], %swap3A_385 {strides = array<i32>} : memref<16x128xf32, #tpu.memory_space<vmem>>, vector<1x16xf32>,
    %swap3A_386 = arith.constant 7 : i32
    %swap3A_387 = arith.index_cast %swap3A_386 : i32 to index
    %swap3A_388 = arith.constant 112 : index
    %swap3A_389 = tpu.vector_load %arg8[%swap3A_387, %swap3A_388] {strides = array<i32>} : memref<16x128xf32, #tpu.memory_space<vmem>>, vector<1x16xf32>,
    %swap3A_390 = vector.shape_cast %swap3A_389 : vector<1x16xf32> to vector<16xf32>
    %swap3A_391 = vector.shape_cast %broadcast_in_dim3A_8 : vector<16xf32> to vector<1x16xf32>
    tpu.vector_store %arg8[%swap3A_387, %swap3A_388], %swap3A_391 {strides = array<i32>} : memref<16x128xf32, #tpu.memory_space<vmem>>, vector<1x16xf32>,
    %swap3A_392 = arith.constant 8 : i32
    %swap3A_393 = arith.index_cast %swap3A_392 : i32 to index
    %swap3A_394 = arith.constant 0 : index
    %swap3A_395 = tpu.vector_load %arg8[%swap3A_393, %swap3A_394] {strides = array<i32>} : memref<16x128xf32, #tpu.memory_space<vmem>>, vector<1x16xf32>,
    %swap3A_396 = vector.shape_cast %swap3A_395 : vector<1x16xf32> to vector<16xf32>
    %swap3A_397 = vector.shape_cast %broadcast_in_dim3A_8 : vector<16xf32> to vector<1x16xf32>
    tpu.vector_store %arg8[%swap3A_393, %swap3A_394], %swap3A_397 {strides = array<i32>} : memref<16x128xf32, #tpu.memory_space<vmem>>, vector<1x16xf32>,
    %swap3A_398 = arith.constant 8 : i32
    %swap3A_399 = arith.index_cast %swap3A_398 : i32 to index
    %swap3A_400 = arith.constant 16 : index
    %swap3A_401 = tpu.vector_load %arg8[%swap3A_399, %swap3A_400] {strides = array<i32>} : memref<16x128xf32, #tpu.memory_space<vmem>>, vector<1x16xf32>,
    %swap3A_402 = vector.shape_cast %swap3A_401 : vector<1x16xf32> to vector<16xf32>
    %swap3A_403 = vector.shape_cast %broadcast_in_dim3A_8 : vector<16xf32> to vector<1x16xf32>
    tpu.vector_store %arg8[%swap3A_399, %swap3A_400], %swap3A_403 {strides = array<i32>} : memref<16x128xf32, #tpu.memory_space<vmem>>, vector<1x16xf32>,
    %swap3A_404 = arith.constant 8 : i32
    %swap3A_405 = arith.index_cast %swap3A_404 : i32 to index
    %swap3A_406 = arith.constant 32 : index
    %swap3A_407 = tpu.vector_load %arg8[%swap3A_405, %swap3A_406] {strides = array<i32>} : memref<16x128xf32, #tpu.memory_space<vmem>>, vector<1x16xf32>,
    %swap3A_408 = vector.shape_cast %swap3A_407 : vector<1x16xf32> to vector<16xf32>
    %swap3A_409 = vector.shape_cast %broadcast_in_dim3A_8 : vector<16xf32> to vector<1x16xf32>
    tpu.vector_store %arg8[%swap3A_405, %swap3A_406], %swap3A_409 {strides = array<i32>} : memref<16x128xf32, #tpu.memory_space<vmem>>, vector<1x16xf32>,
    %swap3A_410 = arith.constant 8 : i32
    %swap3A_411 = arith.index_cast %swap3A_410 : i32 to index
    %swap3A_412 = arith.constant 48 : index
    %swap3A_413 = tpu.vector_load %arg8[%swap3A_411, %swap3A_412] {strides = array<i32>} : memref<16x128xf32, #tpu.memory_space<vmem>>, vector<1x16xf32>,
    %swap3A_414 = vector.shape_cast %swap3A_413 : vector<1x16xf32> to vector<16xf32>
    %swap3A_415 = vector.shape_cast %broadcast_in_dim3A_8 : vector<16xf32> to vector<1x16xf32>
    tpu.vector_store %arg8[%swap3A_411, %swap3A_412], %swap3A_415 {strides = array<i32>} : memref<16x128xf32, #tpu.memory_space<vmem>>, vector<1x16xf32>,
    %swap3A_416 = arith.constant 8 : i32
    %swap3A_417 = arith.index_cast %swap3A_416 : i32 to index
    %swap3A_418 = arith.constant 64 : index
    %swap3A_419 = tpu.vector_load %arg8[%swap3A_417, %swap3A_418] {strides = array<i32>} : memref<16x128xf32, #tpu.memory_space<vmem>>, vector<1x16xf32>,
    %swap3A_420 = vector.shape_cast %swap3A_419 : vector<1x16xf32> to vector<16xf32>
    %swap3A_421 = vector.shape_cast %broadcast_in_dim3A_8 : vector<16xf32> to vector<1x16xf32>
    tpu.vector_store %arg8[%swap3A_417, %swap3A_418], %swap3A_421 {strides = array<i32>} : memref<16x128xf32, #tpu.memory_space<vmem>>, vector<1x16xf32>,
    %swap3A_422 = arith.constant 8 : i32
    %swap3A_423 = arith.index_cast %swap3A_422 : i32 to index
    %swap3A_424 = arith.constant 80 : index
    %swap3A_425 = tpu.vector_load %arg8[%swap3A_423, %swap3A_424] {strides = array<i32>} : memref<16x128xf32, #tpu.memory_space<vmem>>, vector<1x16xf32>,
    %swap3A_426 = vector.shape_cast %swap3A_425 : vector<1x16xf32> to vector<16xf32>
    %swap3A_427 = vector.shape_cast %broadcast_in_dim3A_8 : vector<16xf32> to vector<1x16xf32>
    tpu.vector_store %arg8[%swap3A_423, %swap3A_424], %swap3A_427 {strides = array<i32>} : memref<16x128xf32, #tpu.memory_space<vmem>>, vector<1x16xf32>,
    %swap3A_428 = arith.constant 8 : i32
    %swap3A_429 = arith.index_cast %swap3A_428 : i32 to index
    %swap3A_430 = arith.constant 96 : index
    %swap3A_431 = tpu.vector_load %arg8[%swap3A_429, %swap3A_430] {strides = array<i32>} : memref<16x128xf32, #tpu.memory_space<vmem>>, vector<1x16xf32>,
    %swap3A_432 = vector.shape_cast %swap3A_431 : vector<1x16xf32> to vector<16xf32>
    %swap3A_433 = vector.shape_cast %broadcast_in_dim3A_8 : vector<16xf32> to vector<1x16xf32>
    tpu.vector_store %arg8[%swap3A_429, %swap3A_430], %swap3A_433 {strides = array<i32>} : memref<16x128xf32, #tpu.memory_space<vmem>>, vector<1x16xf32>,
    %swap3A_434 = arith.constant 8 : i32
    %swap3A_435 = arith.index_cast %swap3A_434 : i32 to index
    %swap3A_436 = arith.constant 112 : index
    %swap3A_437 = tpu.vector_load %arg8[%swap3A_435, %swap3A_436] {strides = array<i32>} : memref<16x128xf32, #tpu.memory_space<vmem>>, vector<1x16xf32>,
    %swap3A_438 = vector.shape_cast %swap3A_437 : vector<1x16xf32> to vector<16xf32>
    %swap3A_439 = vector.shape_cast %broadcast_in_dim3A_8 : vector<16xf32> to vector<1x16xf32>
    tpu.vector_store %arg8[%swap3A_435, %swap3A_436], %swap3A_439 {strides = array<i32>} : memref<16x128xf32, #tpu.memory_space<vmem>>, vector<1x16xf32>,
    %swap3A_440 = arith.constant 9 : i32
    %swap3A_441 = arith.index_cast %swap3A_440 : i32 to index
    %swap3A_442 = arith.constant 0 : index
    %swap3A_443 = tpu.vector_load %arg8[%swap3A_441, %swap3A_442] {strides = array<i32>} : memref<16x128xf32, #tpu.memory_space<vmem>>, vector<1x16xf32>,
    %swap3A_444 = vector.shape_cast %swap3A_443 : vector<1x16xf32> to vector<16xf32>
    %swap3A_445 = vector.shape_cast %broadcast_in_dim3A_8 : vector<16xf32> to vector<1x16xf32>
    tpu.vector_store %arg8[%swap3A_441, %swap3A_442], %swap3A_445 {strides = array<i32>} : memref<16x128xf32, #tpu.memory_space<vmem>>, vector<1x16xf32>,
    %swap3A_446 = arith.constant 9 : i32
    %swap3A_447 = arith.index_cast %swap3A_446 : i32 to index
    %swap3A_448 = arith.constant 16 : index
    %swap3A_449 = tpu.vector_load %arg8[%swap3A_447, %swap3A_448] {strides = array<i32>} : memref<16x128xf32, #tpu.memory_space<vmem>>, vector<1x16xf32>,
    %swap3A_450 = vector.shape_cast %swap3A_449 : vector<1x16xf32> to vector<16xf32>
    %swap3A_451 = vector.shape_cast %broadcast_in_dim3A_8 : vector<16xf32> to vector<1x16xf32>
    tpu.vector_store %arg8[%swap3A_447, %swap3A_448], %swap3A_451 {strides = array<i32>} : memref<16x128xf32, #tpu.memory_space<vmem>>, vector<1x16xf32>,
    %swap3A_452 = arith.constant 9 : i32
    %swap3A_453 = arith.index_cast %swap3A_452 : i32 to index
    %swap3A_454 = arith.constant 32 : index
    %swap3A_455 = tpu.vector_load %arg8[%swap3A_453, %swap3A_454] {strides = array<i32>} : memref<16x128xf32, #tpu.memory_space<vmem>>, vector<1x16xf32>,
    %swap3A_456 = vector.shape_cast %swap3A_455 : vector<1x16xf32> to vector<16xf32>
    %swap3A_457 = vector.shape_cast %broadcast_in_dim3A_8 : vector<16xf32> to vector<1x16xf32>
    tpu.vector_store %arg8[%swap3A_453, %swap3A_454], %swap3A_457 {strides = array<i32>} : memref<16x128xf32, #tpu.memory_space<vmem>>, vector<1x16xf32>,
    %swap3A_458 = arith.constant 9 : i32
    %swap3A_459 = arith.index_cast %swap3A_458 : i32 to index
    %swap3A_460 = arith.constant 48 : index
    %swap3A_461 = tpu.vector_load %arg8[%swap3A_459, %swap3A_460] {strides = array<i32>} : memref<16x128xf32, #tpu.memory_space<vmem>>, vector<1x16xf32>,
    %swap3A_462 = vector.shape_cast %swap3A_461 : vector<1x16xf32> to vector<16xf32>
    %swap3A_463 = vector.shape_cast %broadcast_in_dim3A_8 : vector<16xf32> to vector<1x16xf32>
    tpu.vector_store %arg8[%swap3A_459, %swap3A_460], %swap3A_463 {strides = array<i32>} : memref<16x128xf32, #tpu.memory_space<vmem>>, vector<1x16xf32>,
    %swap3A_464 = arith.constant 9 : i32
    %swap3A_465 = arith.index_cast %swap3A_464 : i32 to index
    %swap3A_466 = arith.constant 64 : index
    %swap3A_467 = tpu.vector_load %arg8[%swap3A_465, %swap3A_466] {strides = array<i32>} : memref<16x128xf32, #tpu.memory_space<vmem>>, vector<1x16xf32>,
    %swap3A_468 = vector.shape_cast %swap3A_467 : vector<1x16xf32> to vector<16xf32>
    %swap3A_469 = vector.shape_cast %broadcast_in_dim3A_8 : vector<16xf32> to vector<1x16xf32>
    tpu.vector_store %arg8[%swap3A_465, %swap3A_466], %swap3A_469 {strides = array<i32>} : memref<16x128xf32, #tpu.memory_space<vmem>>, vector<1x16xf32>,
    %swap3A_470 = arith.constant 9 : i32
    %swap3A_471 = arith.index_cast %swap3A_470 : i32 to index
    %swap3A_472 = arith.constant 80 : index
    %swap3A_473 = tpu.vector_load %arg8[%swap3A_471, %swap3A_472] {strides = array<i32>} : memref<16x128xf32, #tpu.memory_space<vmem>>, vector<1x16xf32>,
    %swap3A_474 = vector.shape_cast %swap3A_473 : vector<1x16xf32> to vector<16xf32>
    %swap3A_475 = vector.shape_cast %broadcast_in_dim3A_8 : vector<16xf32> to vector<1x16xf32>
    tpu.vector_store %arg8[%swap3A_471, %swap3A_472], %swap3A_475 {strides = array<i32>} : memref<16x128xf32, #tpu.memory_space<vmem>>, vector<1x16xf32>,
    %swap3A_476 = arith.constant 9 : i32
    %swap3A_477 = arith.index_cast %swap3A_476 : i32 to index
    %swap3A_478 = arith.constant 96 : index
    %swap3A_479 = tpu.vector_load %arg8[%swap3A_477, %swap3A_478] {strides = array<i32>} : memref<16x128xf32, #tpu.memory_space<vmem>>, vector<1x16xf32>,
    %swap3A_480 = vector.shape_cast %swap3A_479 : vector<1x16xf32> to vector<16xf32>
    %swap3A_481 = vector.shape_cast %broadcast_in_dim3A_8 : vector<16xf32> to vector<1x16xf32>
    tpu.vector_store %arg8[%swap3A_477, %swap3A_478], %swap3A_481 {strides = array<i32>} : memref<16x128xf32, #tpu.memory_space<vmem>>, vector<1x16xf32>,
    %swap3A_482 = arith.constant 9 : i32
    %swap3A_483 = arith.index_cast %swap3A_482 : i32 to index
    %swap3A_484 = arith.constant 112 : index
    %swap3A_485 = tpu.vector_load %arg8[%swap3A_483, %swap3A_484] {strides = array<i32>} : memref<16x128xf32, #tpu.memory_space<vmem>>, vector<1x16xf32>,
    %swap3A_486 = vector.shape_cast %swap3A_485 : vector<1x16xf32> to vector<16xf32>
    %swap3A_487 = vector.shape_cast %broadcast_in_dim3A_8 : vector<16xf32> to vector<1x16xf32>
    tpu.vector_store %arg8[%swap3A_483, %swap3A_484], %swap3A_487 {strides = array<i32>} : memref<16x128xf32, #tpu.memory_space<vmem>>, vector<1x16xf32>,
    %swap3A_488 = arith.constant 10 : i32
    %swap3A_489 = arith.index_cast %swap3A_488 : i32 to index
    %swap3A_490 = arith.constant 0 : index
    %swap3A_491 = tpu.vector_load %arg8[%swap3A_489, %swap3A_490] {strides = array<i32>} : memref<16x128xf32, #tpu.memory_space<vmem>>, vector<1x16xf32>,
    %swap3A_492 = vector.shape_cast %swap3A_491 : vector<1x16xf32> to vector<16xf32>
    %swap3A_493 = vector.shape_cast %broadcast_in_dim3A_8 : vector<16xf32> to vector<1x16xf32>
    tpu.vector_store %arg8[%swap3A_489, %swap3A_490], %swap3A_493 {strides = array<i32>} : memref<16x128xf32, #tpu.memory_space<vmem>>, vector<1x16xf32>,
    %swap3A_494 = arith.constant 10 : i32
    %swap3A_495 = arith.index_cast %swap3A_494 : i32 to index
    %swap3A_496 = arith.constant 16 : index
    %swap3A_497 = tpu.vector_load %arg8[%swap3A_495, %swap3A_496] {strides = array<i32>} : memref<16x128xf32, #tpu.memory_space<vmem>>, vector<1x16xf32>,
    %swap3A_498 = vector.shape_cast %swap3A_497 : vector<1x16xf32> to vector<16xf32>
    %swap3A_499 = vector.shape_cast %broadcast_in_dim3A_8 : vector<16xf32> to vector<1x16xf32>
    tpu.vector_store %arg8[%swap3A_495, %swap3A_496], %swap3A_499 {strides = array<i32>} : memref<16x128xf32, #tpu.memory_space<vmem>>, vector<1x16xf32>,
    %swap3A_500 = arith.constant 10 : i32
    %swap3A_501 = arith.index_cast %swap3A_500 : i32 to index
    %swap3A_502 = arith.constant 32 : index
    %swap3A_503 = tpu.vector_load %arg8[%swap3A_501, %swap3A_502] {strides = array<i32>} : memref<16x128xf32, #tpu.memory_space<vmem>>, vector<1x16xf32>,
    %swap3A_504 = vector.shape_cast %swap3A_503 : vector<1x16xf32> to vector<16xf32>
    %swap3A_505 = vector.shape_cast %broadcast_in_dim3A_8 : vector<16xf32> to vector<1x16xf32>
    tpu.vector_store %arg8[%swap3A_501, %swap3A_502], %swap3A_505 {strides = array<i32>} : memref<16x128xf32, #tpu.memory_space<vmem>>, vector<1x16xf32>,
    %swap3A_506 = arith.constant 10 : i32
    %swap3A_507 = arith.index_cast %swap3A_506 : i32 to index
    %swap3A_508 = arith.constant 48 : index
    %swap3A_509 = tpu.vector_load %arg8[%swap3A_507, %swap3A_508] {strides = array<i32>} : memref<16x128xf32, #tpu.memory_space<vmem>>, vector<1x16xf32>,
    %swap3A_510 = vector.shape_cast %swap3A_509 : vector<1x16xf32> to vector<16xf32>
    %swap3A_511 = vector.shape_cast %broadcast_in_dim3A_8 : vector<16xf32> to vector<1x16xf32>
    tpu.vector_store %arg8[%swap3A_507, %swap3A_508], %swap3A_511 {strides = array<i32>} : memref<16x128xf32, #tpu.memory_space<vmem>>, vector<1x16xf32>,
    %swap3A_512 = arith.constant 10 : i32
    %swap3A_513 = arith.index_cast %swap3A_512 : i32 to index
    %swap3A_514 = arith.constant 64 : index
    %swap3A_515 = tpu.vector_load %arg8[%swap3A_513, %swap3A_514] {strides = array<i32>} : memref<16x128xf32, #tpu.memory_space<vmem>>, vector<1x16xf32>,
    %swap3A_516 = vector.shape_cast %swap3A_515 : vector<1x16xf32> to vector<16xf32>
    %swap3A_517 = vector.shape_cast %broadcast_in_dim3A_8 : vector<16xf32> to vector<1x16xf32>
    tpu.vector_store %arg8[%swap3A_513, %swap3A_514], %swap3A_517 {strides = array<i32>} : memref<16x128xf32, #tpu.memory_space<vmem>>, vector<1x16xf32>,
    %swap3A_518 = arith.constant 10 : i32
    %swap3A_519 = arith.index_cast %swap3A_518 : i32 to index
    %swap3A_520 = arith.constant 80 : index
    %swap3A_521 = tpu.vector_load %arg8[%swap3A_519, %swap3A_520] {strides = array<i32>} : memref<16x128xf32, #tpu.memory_space<vmem>>, vector<1x16xf32>,
    %swap3A_522 = vector.shape_cast %swap3A_521 : vector<1x16xf32> to vector<16xf32>
    %swap3A_523 = vector.shape_cast %broadcast_in_dim3A_8 : vector<16xf32> to vector<1x16xf32>
    tpu.vector_store %arg8[%swap3A_519, %swap3A_520], %swap3A_523 {strides = array<i32>} : memref<16x128xf32, #tpu.memory_space<vmem>>, vector<1x16xf32>,
    %swap3A_524 = arith.constant 10 : i32
    %swap3A_525 = arith.index_cast %swap3A_524 : i32 to index
    %swap3A_526 = arith.constant 96 : index
    %swap3A_527 = tpu.vector_load %arg8[%swap3A_525, %swap3A_526] {strides = array<i32>} : memref<16x128xf32, #tpu.memory_space<vmem>>, vector<1x16xf32>,
    %swap3A_528 = vector.shape_cast %swap3A_527 : vector<1x16xf32> to vector<16xf32>
    %swap3A_529 = vector.shape_cast %broadcast_in_dim3A_8 : vector<16xf32> to vector<1x16xf32>
    tpu.vector_store %arg8[%swap3A_525, %swap3A_526], %swap3A_529 {strides = array<i32>} : memref<16x128xf32, #tpu.memory_space<vmem>>, vector<1x16xf32>,
    %swap3A_530 = arith.constant 10 : i32
    %swap3A_531 = arith.index_cast %swap3A_530 : i32 to index
    %swap3A_532 = arith.constant 112 : index
    %swap3A_533 = tpu.vector_load %arg8[%swap3A_531, %swap3A_532] {strides = array<i32>} : memref<16x128xf32, #tpu.memory_space<vmem>>, vector<1x16xf32>,
    %swap3A_534 = vector.shape_cast %swap3A_533 : vector<1x16xf32> to vector<16xf32>
    %swap3A_535 = vector.shape_cast %broadcast_in_dim3A_8 : vector<16xf32> to vector<1x16xf32>
    tpu.vector_store %arg8[%swap3A_531, %swap3A_532], %swap3A_535 {strides = array<i32>} : memref<16x128xf32, #tpu.memory_space<vmem>>, vector<1x16xf32>,
    %swap3A_536 = arith.constant 11 : i32
    %swap3A_537 = arith.index_cast %swap3A_536 : i32 to index
    %swap3A_538 = arith.constant 0 : index
    %swap3A_539 = tpu.vector_load %arg8[%swap3A_537, %swap3A_538] {strides = array<i32>} : memref<16x128xf32, #tpu.memory_space<vmem>>, vector<1x16xf32>,
    %swap3A_540 = vector.shape_cast %swap3A_539 : vector<1x16xf32> to vector<16xf32>
    %swap3A_541 = vector.shape_cast %broadcast_in_dim3A_8 : vector<16xf32> to vector<1x16xf32>
    tpu.vector_store %arg8[%swap3A_537, %swap3A_538], %swap3A_541 {strides = array<i32>} : memref<16x128xf32, #tpu.memory_space<vmem>>, vector<1x16xf32>,
    %swap3A_542 = arith.constant 11 : i32
    %swap3A_543 = arith.index_cast %swap3A_542 : i32 to index
    %swap3A_544 = arith.constant 16 : index
    %swap3A_545 = tpu.vector_load %arg8[%swap3A_543, %swap3A_544] {strides = array<i32>} : memref<16x128xf32, #tpu.memory_space<vmem>>, vector<1x16xf32>,
    %swap3A_546 = vector.shape_cast %swap3A_545 : vector<1x16xf32> to vector<16xf32>
    %swap3A_547 = vector.shape_cast %broadcast_in_dim3A_8 : vector<16xf32> to vector<1x16xf32>
    tpu.vector_store %arg8[%swap3A_543, %swap3A_544], %swap3A_547 {strides = array<i32>} : memref<16x128xf32, #tpu.memory_space<vmem>>, vector<1x16xf32>,
    %swap3A_548 = arith.constant 11 : i32
    %swap3A_549 = arith.index_cast %swap3A_548 : i32 to index
    %swap3A_550 = arith.constant 32 : index
    %swap3A_551 = tpu.vector_load %arg8[%swap3A_549, %swap3A_550] {strides = array<i32>} : memref<16x128xf32, #tpu.memory_space<vmem>>, vector<1x16xf32>,
    %swap3A_552 = vector.shape_cast %swap3A_551 : vector<1x16xf32> to vector<16xf32>
    %swap3A_553 = vector.shape_cast %broadcast_in_dim3A_8 : vector<16xf32> to vector<1x16xf32>
    tpu.vector_store %arg8[%swap3A_549, %swap3A_550], %swap3A_553 {strides = array<i32>} : memref<16x128xf32, #tpu.memory_space<vmem>>, vector<1x16xf32>,
    %swap3A_554 = arith.constant 11 : i32
    %swap3A_555 = arith.index_cast %swap3A_554 : i32 to index
    %swap3A_556 = arith.constant 48 : index
    %swap3A_557 = tpu.vector_load %arg8[%swap3A_555, %swap3A_556] {strides = array<i32>} : memref<16x128xf32, #tpu.memory_space<vmem>>, vector<1x16xf32>,
    %swap3A_558 = vector.shape_cast %swap3A_557 : vector<1x16xf32> to vector<16xf32>
    %swap3A_559 = vector.shape_cast %broadcast_in_dim3A_8 : vector<16xf32> to vector<1x16xf32>
    tpu.vector_store %arg8[%swap3A_555, %swap3A_556], %swap3A_559 {strides = array<i32>} : memref<16x128xf32, #tpu.memory_space<vmem>>, vector<1x16xf32>,
    %swap3A_560 = arith.constant 11 : i32
    %swap3A_561 = arith.index_cast %swap3A_560 : i32 to index
    %swap3A_562 = arith.constant 64 : index
    %swap3A_563 = tpu.vector_load %arg8[%swap3A_561, %swap3A_562] {strides = array<i32>} : memref<16x128xf32, #tpu.memory_space<vmem>>, vector<1x16xf32>,
    %swap3A_564 = vector.shape_cast %swap3A_563 : vector<1x16xf32> to vector<16xf32>
    %swap3A_565 = vector.shape_cast %broadcast_in_dim3A_8 : vector<16xf32> to vector<1x16xf32>
    tpu.vector_store %arg8[%swap3A_561, %swap3A_562], %swap3A_565 {strides = array<i32>} : memref<16x128xf32, #tpu.memory_space<vmem>>, vector<1x16xf32>,
    %swap3A_566 = arith.constant 11 : i32
    %swap3A_567 = arith.index_cast %swap3A_566 : i32 to index
    %swap3A_568 = arith.constant 80 : index
    %swap3A_569 = tpu.vector_load %arg8[%swap3A_567, %swap3A_568] {strides = array<i32>} : memref<16x128xf32, #tpu.memory_space<vmem>>, vector<1x16xf32>,
    %swap3A_570 = vector.shape_cast %swap3A_569 : vector<1x16xf32> to vector<16xf32>
    %swap3A_571 = vector.shape_cast %broadcast_in_dim3A_8 : vector<16xf32> to vector<1x16xf32>
    tpu.vector_store %arg8[%swap3A_567, %swap3A_568], %swap3A_571 {strides = array<i32>} : memref<16x128xf32, #tpu.memory_space<vmem>>, vector<1x16xf32>,
    %swap3A_572 = arith.constant 11 : i32
    %swap3A_573 = arith.index_cast %swap3A_572 : i32 to index
    %swap3A_574 = arith.constant 96 : index
    %swap3A_575 = tpu.vector_load %arg8[%swap3A_573, %swap3A_574] {strides = array<i32>} : memref<16x128xf32, #tpu.memory_space<vmem>>, vector<1x16xf32>,
    %swap3A_576 = vector.shape_cast %swap3A_575 : vector<1x16xf32> to vector<16xf32>
    %swap3A_577 = vector.shape_cast %broadcast_in_dim3A_8 : vector<16xf32> to vector<1x16xf32>
    tpu.vector_store %arg8[%swap3A_573, %swap3A_574], %swap3A_577 {strides = array<i32>} : memref<16x128xf32, #tpu.memory_space<vmem>>, vector<1x16xf32>,
    %swap3A_578 = arith.constant 11 : i32
    %swap3A_579 = arith.index_cast %swap3A_578 : i32 to index
    %swap3A_580 = arith.constant 112 : index
    %swap3A_581 = tpu.vector_load %arg8[%swap3A_579, %swap3A_580] {strides = array<i32>} : memref<16x128xf32, #tpu.memory_space<vmem>>, vector<1x16xf32>,
    %swap3A_582 = vector.shape_cast %swap3A_581 : vector<1x16xf32> to vector<16xf32>
    %swap3A_583 = vector.shape_cast %broadcast_in_dim3A_8 : vector<16xf32> to vector<1x16xf32>
    tpu.vector_store %arg8[%swap3A_579, %swap3A_580], %swap3A_583 {strides = array<i32>} : memref<16x128xf32, #tpu.memory_space<vmem>>, vector<1x16xf32>,
    %swap3A_584 = arith.constant 12 : i32
    %swap3A_585 = arith.index_cast %swap3A_584 : i32 to index
    %swap3A_586 = arith.constant 0 : index
    %swap3A_587 = tpu.vector_load %arg8[%swap3A_585, %swap3A_586] {strides = array<i32>} : memref<16x128xf32, #tpu.memory_space<vmem>>, vector<1x16xf32>,
    %swap3A_588 = vector.shape_cast %swap3A_587 : vector<1x16xf32> to vector<16xf32>
    %swap3A_589 = vector.shape_cast %broadcast_in_dim3A_8 : vector<16xf32> to vector<1x16xf32>
    tpu.vector_store %arg8[%swap3A_585, %swap3A_586], %swap3A_589 {strides = array<i32>} : memref<16x128xf32, #tpu.memory_space<vmem>>, vector<1x16xf32>,
    %swap3A_590 = arith.constant 12 : i32
    %swap3A_591 = arith.index_cast %swap3A_590 : i32 to index
    %swap3A_592 = arith.constant 16 : index
    %swap3A_593 = tpu.vector_load %arg8[%swap3A_591, %swap3A_592] {strides = array<i32>} : memref<16x128xf32, #tpu.memory_space<vmem>>, vector<1x16xf32>,
    %swap3A_594 = vector.shape_cast %swap3A_593 : vector<1x16xf32> to vector<16xf32>
    %swap3A_595 = vector.shape_cast %broadcast_in_dim3A_8 : vector<16xf32> to vector<1x16xf32>
    tpu.vector_store %arg8[%swap3A_591, %swap3A_592], %swap3A_595 {strides = array<i32>} : memref<16x128xf32, #tpu.memory_space<vmem>>, vector<1x16xf32>,
    %swap3A_596 = arith.constant 12 : i32
    %swap3A_597 = arith.index_cast %swap3A_596 : i32 to index
    %swap3A_598 = arith.constant 32 : index
    %swap3A_599 = tpu.vector_load %arg8[%swap3A_597, %swap3A_598] {strides = array<i32>} : memref<16x128xf32, #tpu.memory_space<vmem>>, vector<1x16xf32>,
    %swap3A_600 = vector.shape_cast %swap3A_599 : vector<1x16xf32> to vector<16xf32>
    %swap3A_601 = vector.shape_cast %broadcast_in_dim3A_8 : vector<16xf32> to vector<1x16xf32>
    tpu.vector_store %arg8[%swap3A_597, %swap3A_598], %swap3A_601 {strides = array<i32>} : memref<16x128xf32, #tpu.memory_space<vmem>>, vector<1x16xf32>,
    %swap3A_602 = arith.constant 12 : i32
    %swap3A_603 = arith.index_cast %swap3A_602 : i32 to index
    %swap3A_604 = arith.constant 48 : index
    %swap3A_605 = tpu.vector_load %arg8[%swap3A_603, %swap3A_604] {strides = array<i32>} : memref<16x128xf32, #tpu.memory_space<vmem>>, vector<1x16xf32>,
    %swap3A_606 = vector.shape_cast %swap3A_605 : vector<1x16xf32> to vector<16xf32>
    %swap3A_607 = vector.shape_cast %broadcast_in_dim3A_8 : vector<16xf32> to vector<1x16xf32>
    tpu.vector_store %arg8[%swap3A_603, %swap3A_604], %swap3A_607 {strides = array<i32>} : memref<16x128xf32, #tpu.memory_space<vmem>>, vector<1x16xf32>,
    %swap3A_608 = arith.constant 12 : i32
    %swap3A_609 = arith.index_cast %swap3A_608 : i32 to index
    %swap3A_610 = arith.constant 64 : index
    %swap3A_611 = tpu.vector_load %arg8[%swap3A_609, %swap3A_610] {strides = array<i32>} : memref<16x128xf32, #tpu.memory_space<vmem>>, vector<1x16xf32>,
    %swap3A_612 = vector.shape_cast %swap3A_611 : vector<1x16xf32> to vector<16xf32>
    %swap3A_613 = vector.shape_cast %broadcast_in_dim3A_8 : vector<16xf32> to vector<1x16xf32>
    tpu.vector_store %arg8[%swap3A_609, %swap3A_610], %swap3A_613 {strides = array<i32>} : memref<16x128xf32, #tpu.memory_space<vmem>>, vector<1x16xf32>,
    %swap3A_614 = arith.constant 12 : i32
    %swap3A_615 = arith.index_cast %swap3A_614 : i32 to index
    %swap3A_616 = arith.constant 80 : index
    %swap3A_617 = tpu.vector_load %arg8[%swap3A_615, %swap3A_616] {strides = array<i32>} : memref<16x128xf32, #tpu.memory_space<vmem>>, vector<1x16xf32>,
    %swap3A_618 = vector.shape_cast %swap3A_617 : vector<1x16xf32> to vector<16xf32>
    %swap3A_619 = vector.shape_cast %broadcast_in_dim3A_8 : vector<16xf32> to vector<1x16xf32>
    tpu.vector_store %arg8[%swap3A_615, %swap3A_616], %swap3A_619 {strides = array<i32>} : memref<16x128xf32, #tpu.memory_space<vmem>>, vector<1x16xf32>,
    %swap3A_620 = arith.constant 12 : i32
    %swap3A_621 = arith.index_cast %swap3A_620 : i32 to index
    %swap3A_622 = arith.constant 96 : index
    %swap3A_623 = tpu.vector_load %arg8[%swap3A_621, %swap3A_622] {strides = array<i32>} : memref<16x128xf32, #tpu.memory_space<vmem>>, vector<1x16xf32>,
    %swap3A_624 = vector.shape_cast %swap3A_623 : vector<1x16xf32> to vector<16xf32>
    %swap3A_625 = vector.shape_cast %broadcast_in_dim3A_8 : vector<16xf32> to vector<1x16xf32>
    tpu.vector_store %arg8[%swap3A_621, %swap3A_622], %swap3A_625 {strides = array<i32>} : memref<16x128xf32, #tpu.memory_space<vmem>>, vector<1x16xf32>,
    %swap3A_626 = arith.constant 12 : i32
    %swap3A_627 = arith.index_cast %swap3A_626 : i32 to index
    %swap3A_628 = arith.constant 112 : index
    %swap3A_629 = tpu.vector_load %arg8[%swap3A_627, %swap3A_628] {strides = array<i32>} : memref<16x128xf32, #tpu.memory_space<vmem>>, vector<1x16xf32>,
    %swap3A_630 = vector.shape_cast %swap3A_629 : vector<1x16xf32> to vector<16xf32>
    %swap3A_631 = vector.shape_cast %broadcast_in_dim3A_8 : vector<16xf32> to vector<1x16xf32>
    tpu.vector_store %arg8[%swap3A_627, %swap3A_628], %swap3A_631 {strides = array<i32>} : memref<16x128xf32, #tpu.memory_space<vmem>>, vector<1x16xf32>,
    %swap3A_632 = arith.constant 13 : i32
    %swap3A_633 = arith.index_cast %swap3A_632 : i32 to index
    %swap3A_634 = arith.constant 0 : index
    %swap3A_635 = tpu.vector_load %arg8[%swap3A_633, %swap3A_634] {strides = array<i32>} : memref<16x128xf32, #tpu.memory_space<vmem>>, vector<1x16xf32>,
    %swap3A_636 = vector.shape_cast %swap3A_635 : vector<1x16xf32> to vector<16xf32>
    %swap3A_637 = vector.shape_cast %broadcast_in_dim3A_8 : vector<16xf32> to vector<1x16xf32>
    tpu.vector_store %arg8[%swap3A_633, %swap3A_634], %swap3A_637 {strides = array<i32>} : memref<16x128xf32, #tpu.memory_space<vmem>>, vector<1x16xf32>,
    %swap3A_638 = arith.constant 13 : i32
    %swap3A_639 = arith.index_cast %swap3A_638 : i32 to index
    %swap3A_640 = arith.constant 16 : index
    %swap3A_641 = tpu.vector_load %arg8[%swap3A_639, %swap3A_640] {strides = array<i32>} : memref<16x128xf32, #tpu.memory_space<vmem>>, vector<1x16xf32>,
    %swap3A_642 = vector.shape_cast %swap3A_641 : vector<1x16xf32> to vector<16xf32>
    %swap3A_643 = vector.shape_cast %broadcast_in_dim3A_8 : vector<16xf32> to vector<1x16xf32>
    tpu.vector_store %arg8[%swap3A_639, %swap3A_640], %swap3A_643 {strides = array<i32>} : memref<16x128xf32, #tpu.memory_space<vmem>>, vector<1x16xf32>,
    %swap3A_644 = arith.constant 13 : i32
    %swap3A_645 = arith.index_cast %swap3A_644 : i32 to index
    %swap3A_646 = arith.constant 32 : index
    %swap3A_647 = tpu.vector_load %arg8[%swap3A_645, %swap3A_646] {strides = array<i32>} : memref<16x128xf32, #tpu.memory_space<vmem>>, vector<1x16xf32>,
    %swap3A_648 = vector.shape_cast %swap3A_647 : vector<1x16xf32> to vector<16xf32>
    %swap3A_649 = vector.shape_cast %broadcast_in_dim3A_8 : vector<16xf32> to vector<1x16xf32>
    tpu.vector_store %arg8[%swap3A_645, %swap3A_646], %swap3A_649 {strides = array<i32>} : memref<16x128xf32, #tpu.memory_space<vmem>>, vector<1x16xf32>,
    %swap3A_650 = arith.constant 13 : i32
    %swap3A_651 = arith.index_cast %swap3A_650 : i32 to index
    %swap3A_652 = arith.constant 48 : index
    %swap3A_653 = tpu.vector_load %arg8[%swap3A_651, %swap3A_652] {strides = array<i32>} : memref<16x128xf32, #tpu.memory_space<vmem>>, vector<1x16xf32>,
    %swap3A_654 = vector.shape_cast %swap3A_653 : vector<1x16xf32> to vector<16xf32>
    %swap3A_655 = vector.shape_cast %broadcast_in_dim3A_8 : vector<16xf32> to vector<1x16xf32>
    tpu.vector_store %arg8[%swap3A_651, %swap3A_652], %swap3A_655 {strides = array<i32>} : memref<16x128xf32, #tpu.memory_space<vmem>>, vector<1x16xf32>,
    %swap3A_656 = arith.constant 13 : i32
    %swap3A_657 = arith.index_cast %swap3A_656 : i32 to index
    %swap3A_658 = arith.constant 64 : index
    %swap3A_659 = tpu.vector_load %arg8[%swap3A_657, %swap3A_658] {strides = array<i32>} : memref<16x128xf32, #tpu.memory_space<vmem>>, vector<1x16xf32>,
    %swap3A_660 = vector.shape_cast %swap3A_659 : vector<1x16xf32> to vector<16xf32>
    %swap3A_661 = vector.shape_cast %broadcast_in_dim3A_8 : vector<16xf32> to vector<1x16xf32>
    tpu.vector_store %arg8[%swap3A_657, %swap3A_658], %swap3A_661 {strides = array<i32>} : memref<16x128xf32, #tpu.memory_space<vmem>>, vector<1x16xf32>,
    %swap3A_662 = arith.constant 13 : i32
    %swap3A_663 = arith.index_cast %swap3A_662 : i32 to index
    %swap3A_664 = arith.constant 80 : index
    %swap3A_665 = tpu.vector_load %arg8[%swap3A_663, %swap3A_664] {strides = array<i32>} : memref<16x128xf32, #tpu.memory_space<vmem>>, vector<1x16xf32>,
    %swap3A_666 = vector.shape_cast %swap3A_665 : vector<1x16xf32> to vector<16xf32>
    %swap3A_667 = vector.shape_cast %broadcast_in_dim3A_8 : vector<16xf32> to vector<1x16xf32>
    tpu.vector_store %arg8[%swap3A_663, %swap3A_664], %swap3A_667 {strides = array<i32>} : memref<16x128xf32, #tpu.memory_space<vmem>>, vector<1x16xf32>,
    %swap3A_668 = arith.constant 13 : i32
    %swap3A_669 = arith.index_cast %swap3A_668 : i32 to index
    %swap3A_670 = arith.constant 96 : index
    %swap3A_671 = tpu.vector_load %arg8[%swap3A_669, %swap3A_670] {strides = array<i32>} : memref<16x128xf32, #tpu.memory_space<vmem>>, vector<1x16xf32>,
    %swap3A_672 = vector.shape_cast %swap3A_671 : vector<1x16xf32> to vector<16xf32>
    %swap3A_673 = vector.shape_cast %broadcast_in_dim3A_8 : vector<16xf32> to vector<1x16xf32>
    tpu.vector_store %arg8[%swap3A_669, %swap3A_670], %swap3A_673 {strides = array<i32>} : memref<16x128xf32, #tpu.memory_space<vmem>>, vector<1x16xf32>,
    %swap3A_674 = arith.constant 13 : i32
    %swap3A_675 = arith.index_cast %swap3A_674 : i32 to index
    %swap3A_676 = arith.constant 112 : index
    %swap3A_677 = tpu.vector_load %arg8[%swap3A_675, %swap3A_676] {strides = array<i32>} : memref<16x128xf32, #tpu.memory_space<vmem>>, vector<1x16xf32>,
    %swap3A_678 = vector.shape_cast %swap3A_677 : vector<1x16xf32> to vector<16xf32>
    %swap3A_679 = vector.shape_cast %broadcast_in_dim3A_8 : vector<16xf32> to vector<1x16xf32>
    tpu.vector_store %arg8[%swap3A_675, %swap3A_676], %swap3A_679 {strides = array<i32>} : memref<16x128xf32, #tpu.memory_space<vmem>>, vector<1x16xf32>,
    %swap3A_680 = arith.constant 14 : i32
    %swap3A_681 = arith.index_cast %swap3A_680 : i32 to index
    %swap3A_682 = arith.constant 0 : index
    %swap3A_683 = tpu.vector_load %arg8[%swap3A_681, %swap3A_682] {strides = array<i32>} : memref<16x128xf32, #tpu.memory_space<vmem>>, vector<1x16xf32>,
    %swap3A_684 = vector.shape_cast %swap3A_683 : vector<1x16xf32> to vector<16xf32>
    %swap3A_685 = vector.shape_cast %broadcast_in_dim3A_8 : vector<16xf32> to vector<1x16xf32>
    tpu.vector_store %arg8[%swap3A_681, %swap3A_682], %swap3A_685 {strides = array<i32>} : memref<16x128xf32, #tpu.memory_space<vmem>>, vector<1x16xf32>,
    %swap3A_686 = arith.constant 14 : i32
    %swap3A_687 = arith.index_cast %swap3A_686 : i32 to index
    %swap3A_688 = arith.constant 16 : index
    %swap3A_689 = tpu.vector_load %arg8[%swap3A_687, %swap3A_688] {strides = array<i32>} : memref<16x128xf32, #tpu.memory_space<vmem>>, vector<1x16xf32>,
    %swap3A_690 = vector.shape_cast %swap3A_689 : vector<1x16xf32> to vector<16xf32>
    %swap3A_691 = vector.shape_cast %broadcast_in_dim3A_8 : vector<16xf32> to vector<1x16xf32>
    tpu.vector_store %arg8[%swap3A_687, %swap3A_688], %swap3A_691 {strides = array<i32>} : memref<16x128xf32, #tpu.memory_space<vmem>>, vector<1x16xf32>,
    %swap3A_692 = arith.constant 14 : i32
    %swap3A_693 = arith.index_cast %swap3A_692 : i32 to index
    %swap3A_694 = arith.constant 32 : index
    %swap3A_695 = tpu.vector_load %arg8[%swap3A_693, %swap3A_694] {strides = array<i32>} : memref<16x128xf32, #tpu.memory_space<vmem>>, vector<1x16xf32>,
    %swap3A_696 = vector.shape_cast %swap3A_695 : vector<1x16xf32> to vector<16xf32>
    %swap3A_697 = vector.shape_cast %broadcast_in_dim3A_8 : vector<16xf32> to vector<1x16xf32>
    tpu.vector_store %arg8[%swap3A_693, %swap3A_694], %swap3A_697 {strides = array<i32>} : memref<16x128xf32, #tpu.memory_space<vmem>>, vector<1x16xf32>,
    %swap3A_698 = arith.constant 14 : i32
    %swap3A_699 = arith.index_cast %swap3A_698 : i32 to index
    %swap3A_700 = arith.constant 48 : index
    %swap3A_701 = tpu.vector_load %arg8[%swap3A_699, %swap3A_700] {strides = array<i32>} : memref<16x128xf32, #tpu.memory_space<vmem>>, vector<1x16xf32>,
    %swap3A_702 = vector.shape_cast %swap3A_701 : vector<1x16xf32> to vector<16xf32>
    %swap3A_703 = vector.shape_cast %broadcast_in_dim3A_8 : vector<16xf32> to vector<1x16xf32>
    tpu.vector_store %arg8[%swap3A_699, %swap3A_700], %swap3A_703 {strides = array<i32>} : memref<16x128xf32, #tpu.memory_space<vmem>>, vector<1x16xf32>,
    %swap3A_704 = arith.constant 14 : i32
    %swap3A_705 = arith.index_cast %swap3A_704 : i32 to index
    %swap3A_706 = arith.constant 64 : index
    %swap3A_707 = tpu.vector_load %arg8[%swap3A_705, %swap3A_706] {strides = array<i32>} : memref<16x128xf32, #tpu.memory_space<vmem>>, vector<1x16xf32>,
    %swap3A_708 = vector.shape_cast %swap3A_707 : vector<1x16xf32> to vector<16xf32>
    %swap3A_709 = vector.shape_cast %broadcast_in_dim3A_8 : vector<16xf32> to vector<1x16xf32>
    tpu.vector_store %arg8[%swap3A_705, %swap3A_706], %swap3A_709 {strides = array<i32>} : memref<16x128xf32, #tpu.memory_space<vmem>>, vector<1x16xf32>,
    %swap3A_710 = arith.constant 14 : i32
    %swap3A_711 = arith.index_cast %swap3A_710 : i32 to index
    %swap3A_712 = arith.constant 80 : index
    %swap3A_713 = tpu.vector_load %arg8[%swap3A_711, %swap3A_712] {strides = array<i32>} : memref<16x128xf32, #tpu.memory_space<vmem>>, vector<1x16xf32>,
    %swap3A_714 = vector.shape_cast %swap3A_713 : vector<1x16xf32> to vector<16xf32>
    %swap3A_715 = vector.shape_cast %broadcast_in_dim3A_8 : vector<16xf32> to vector<1x16xf32>
    tpu.vector_store %arg8[%swap3A_711, %swap3A_712], %swap3A_715 {strides = array<i32>} : memref<16x128xf32, #tpu.memory_space<vmem>>, vector<1x16xf32>,
    %swap3A_716 = arith.constant 14 : i32
    %swap3A_717 = arith.index_cast %swap3A_716 : i32 to index
    %swap3A_718 = arith.constant 96 : index
    %swap3A_719 = tpu.vector_load %arg8[%swap3A_717, %swap3A_718] {strides = array<i32>} : memref<16x128xf32, #tpu.memory_space<vmem>>, vector<1x16xf32>,
    %swap3A_720 = vector.shape_cast %swap3A_719 : vector<1x16xf32> to vector<16xf32>
    %swap3A_721 = vector.shape_cast %broadcast_in_dim3A_8 : vector<16xf32> to vector<1x16xf32>
    tpu.vector_store %arg8[%swap3A_717, %swap3A_718], %swap3A_721 {strides = array<i32>} : memref<16x128xf32, #tpu.memory_space<vmem>>, vector<1x16xf32>,
    %swap3A_722 = arith.constant 14 : i32
    %swap3A_723 = arith.index_cast %swap3A_722 : i32 to index
    %swap3A_724 = arith.constant 112 : index
    %swap3A_725 = tpu.vector_load %arg8[%swap3A_723, %swap3A_724] {strides = array<i32>} : memref<16x128xf32, #tpu.memory_space<vmem>>, vector<1x16xf32>,
    %swap3A_726 = vector.shape_cast %swap3A_725 : vector<1x16xf32> to vector<16xf32>
    %swap3A_727 = vector.shape_cast %broadcast_in_dim3A_8 : vector<16xf32> to vector<1x16xf32>
    tpu.vector_store %arg8[%swap3A_723, %swap3A_724], %swap3A_727 {strides = array<i32>} : memref<16x128xf32, #tpu.memory_space<vmem>>, vector<1x16xf32>,
    %swap3A_728 = arith.constant 15 : i32
    %swap3A_729 = arith.index_cast %swap3A_728 : i32 to index
    %swap3A_730 = arith.constant 0 : index
    %swap3A_731 = tpu.vector_load %arg8[%swap3A_729, %swap3A_730] {strides = array<i32>} : memref<16x128xf32, #tpu.memory_space<vmem>>, vector<1x16xf32>,
    %swap3A_732 = vector.shape_cast %swap3A_731 : vector<1x16xf32> to vector<16xf32>
    %swap3A_733 = vector.shape_cast %broadcast_in_dim3A_8 : vector<16xf32> to vector<1x16xf32>
    tpu.vector_store %arg8[%swap3A_729, %swap3A_730], %swap3A_733 {strides = array<i32>} : memref<16x128xf32, #tpu.memory_space<vmem>>, vector<1x16xf32>,
    %swap3A_734 = arith.constant 15 : i32
    %swap3A_735 = arith.index_cast %swap3A_734 : i32 to index
    %swap3A_736 = arith.constant 16 : index
    %swap3A_737 = tpu.vector_load %arg8[%swap3A_735, %swap3A_736] {strides = array<i32>} : memref<16x128xf32, #tpu.memory_space<vmem>>, vector<1x16xf32>,
    %swap3A_738 = vector.shape_cast %swap3A_737 : vector<1x16xf32> to vector<16xf32>
    %swap3A_739 = vector.shape_cast %broadcast_in_dim3A_8 : vector<16xf32> to vector<1x16xf32>
    tpu.vector_store %arg8[%swap3A_735, %swap3A_736], %swap3A_739 {strides = array<i32>} : memref<16x128xf32, #tpu.memory_space<vmem>>, vector<1x16xf32>,
    %swap3A_740 = arith.constant 15 : i32
    %swap3A_741 = arith.index_cast %swap3A_740 : i32 to index
    %swap3A_742 = arith.constant 32 : index
    %swap3A_743 = tpu.vector_load %arg8[%swap3A_741, %swap3A_742] {strides = array<i32>} : memref<16x128xf32, #tpu.memory_space<vmem>>, vector<1x16xf32>,
    %swap3A_744 = vector.shape_cast %swap3A_743 : vector<1x16xf32> to vector<16xf32>
    %swap3A_745 = vector.shape_cast %broadcast_in_dim3A_8 : vector<16xf32> to vector<1x16xf32>
    tpu.vector_store %arg8[%swap3A_741, %swap3A_742], %swap3A_745 {strides = array<i32>} : memref<16x128xf32, #tpu.memory_space<vmem>>, vector<1x16xf32>,
    %swap3A_746 = arith.constant 15 : i32
    %swap3A_747 = arith.index_cast %swap3A_746 : i32 to index
    %swap3A_748 = arith.constant 48 : index
    %swap3A_749 = tpu.vector_load %arg8[%swap3A_747, %swap3A_748] {strides = array<i32>} : memref<16x128xf32, #tpu.memory_space<vmem>>, vector<1x16xf32>,
    %swap3A_750 = vector.shape_cast %swap3A_749 : vector<1x16xf32> to vector<16xf32>
    %swap3A_751 = vector.shape_cast %broadcast_in_dim3A_8 : vector<16xf32> to vector<1x16xf32>
    tpu.vector_store %arg8[%swap3A_747, %swap3A_748], %swap3A_751 {strides = array<i32>} : memref<16x128xf32, #tpu.memory_space<vmem>>, vector<1x16xf32>,
    %swap3A_752 = arith.constant 15 : i32
    %swap3A_753 = arith.index_cast %swap3A_752 : i32 to index
    %swap3A_754 = arith.constant 64 : index
    %swap3A_755 = tpu.vector_load %arg8[%swap3A_753, %swap3A_754] {strides = array<i32>} : memref<16x128xf32, #tpu.memory_space<vmem>>, vector<1x16xf32>,
    %swap3A_756 = vector.shape_cast %swap3A_755 : vector<1x16xf32> to vector<16xf32>
    %swap3A_757 = vector.shape_cast %broadcast_in_dim3A_8 : vector<16xf32> to vector<1x16xf32>
    tpu.vector_store %arg8[%swap3A_753, %swap3A_754], %swap3A_757 {strides = array<i32>} : memref<16x128xf32, #tpu.memory_space<vmem>>, vector<1x16xf32>,
    %swap3A_758 = arith.constant 15 : i32
    %swap3A_759 = arith.index_cast %swap3A_758 : i32 to index
    %swap3A_760 = arith.constant 80 : index
    %swap3A_761 = tpu.vector_load %arg8[%swap3A_759, %swap3A_760] {strides = array<i32>} : memref<16x128xf32, #tpu.memory_space<vmem>>, vector<1x16xf32>,
    %swap3A_762 = vector.shape_cast %swap3A_761 : vector<1x16xf32> to vector<16xf32>
    %swap3A_763 = vector.shape_cast %broadcast_in_dim3A_8 : vector<16xf32> to vector<1x16xf32>
    tpu.vector_store %arg8[%swap3A_759, %swap3A_760], %swap3A_763 {strides = array<i32>} : memref<16x128xf32, #tpu.memory_space<vmem>>, vector<1x16xf32>,
    %swap3A_764 = arith.constant 15 : i32
    %swap3A_765 = arith.index_cast %swap3A_764 : i32 to index
    %swap3A_766 = arith.constant 96 : index
    %swap3A_767 = tpu.vector_load %arg8[%swap3A_765, %swap3A_766] {strides = array<i32>} : memref<16x128xf32, #tpu.memory_space<vmem>>, vector<1x16xf32>,
    %swap3A_768 = vector.shape_cast %swap3A_767 : vector<1x16xf32> to vector<16xf32>
    %swap3A_769 = vector.shape_cast %broadcast_in_dim3A_8 : vector<16xf32> to vector<1x16xf32>
    tpu.vector_store %arg8[%swap3A_765, %swap3A_766], %swap3A_769 {strides = array<i32>} : memref<16x128xf32, #tpu.memory_space<vmem>>, vector<1x16xf32>,
    %swap3A_770 = arith.constant 15 : i32
    %swap3A_771 = arith.index_cast %swap3A_770 : i32 to index
    %swap3A_772 = arith.constant 112 : index
    %swap3A_773 = tpu.vector_load %arg8[%swap3A_771, %swap3A_772] {strides = array<i32>} : memref<16x128xf32, #tpu.memory_space<vmem>>, vector<1x16xf32>,
    %swap3A_774 = vector.shape_cast %swap3A_773 : vector<1x16xf32> to vector<16xf32>
    %swap3A_775 = vector.shape_cast %broadcast_in_dim3A_8 : vector<16xf32> to vector<1x16xf32>
    tpu.vector_store %arg8[%swap3A_771, %swap3A_772], %swap3A_775 {strides = array<i32>} : memref<16x128xf32, #tpu.memory_space<vmem>>, vector<1x16xf32>,
    %mul3A_776 = arith.constant 16 : i32
    %mul3A_777 = arith.muli %arg1, %mul3A_776 : i32
    %min3A = arith.constant 120 : i32
    %min3A_778 = arith.minsi %mul3A_777, %min3A : i32
    "tpu.region"() ({
      %run_scoped3A = tpu.sem_alloc : memref<!tpu.dma_semaphore, #tpu.memory_space<semaphore_mem>>
      %dma_start3A_952 = arith.constant 0 : i32
      %dma_start3A_953 = tpu.memref_slice %arg9[%min3A_778, %dma_start3A_952] : memref<136x128xf32, #tpu.memory_space<vmem_shared>> -> memref<16x128xf32, #tpu.memory_space<vmem_shared>>
      %dma_start3A_954 = arith.constant 0 : i32
      %dma_start3A_955 = tpu.memref_slice %arg9[%min3A_778, %dma_start3A_954] : memref<136x128xf32, #tpu.memory_space<vmem_shared>> -> memref<16x128xf32, #tpu.memory_space<vmem_shared>>
      tpu.enqueue_dma source(%arg8 : memref<16x128xf32, #tpu.memory_space<vmem>>) target(%dma_start3A_955 : memref<16x128xf32, #tpu.memory_space<vmem_shared>>) target_semaphore(%run_scoped3A : memref<!tpu.dma_semaphore, #tpu.memory_space<semaphore_mem>>)
      %dma_wait3A_956 = arith.constant 0 : i32
      %dma_wait3A_957 = tpu.memref_slice %arg9[%min3A_778, %dma_wait3A_956] : memref<136x128xf32, #tpu.memory_space<vmem_shared>> -> memref<16x128xf32, #tpu.memory_space<vmem_shared>>
      %dma_wait3A_958 = arith.constant 0 : i32
      %dma_wait3A_959 = tpu.memref_slice %arg9[%min3A_778, %dma_wait3A_958] : memref<136x128xf32, #tpu.memory_space<vmem_shared>> -> memref<16x128xf32, #tpu.memory_space<vmem_shared>>
      tpu.wait_dma2 semaphore(%run_scoped3A : memref<!tpu.dma_semaphore, #tpu.memory_space<semaphore_mem>>) src(%arg8 : memref<16x128xf32, #tpu.memory_space<vmem>>) dst(%dma_wait3A_959 : memref<16x128xf32, #tpu.memory_space<vmem_shared>>)
      tpu.yield
    }) : () -> ()
    %dma_wait3A = tpu.memref_slice %arg3[%mul3A_2] : memref<10000xi32, #tpu.memory_space<hbm>> -> memref<224xi32, #tpu.memory_space<hbm>>
    %dma_wait3A_779 = tpu.memref_slice %arg3[%mul3A_2] : memref<10000xi32, #tpu.memory_space<hbm>> -> memref<224xi32, #tpu.memory_space<hbm>>
    tpu.wait_dma2 semaphore(%arg11 : memref<!tpu.dma_semaphore, #tpu.memory_space<semaphore_mem>>) src(%dma_wait3A_779 : memref<224xi32, #tpu.memory_space<hbm>>) dst(%arg6 : memref<224xi32, #tpu.memory_space<vmem>>)
    %get3A = arith.constant 0 : index
    %get3A_780 = tpu.vector_load %arg6[%get3A] {strides = array<i32>} : memref<224xi32, #tpu.memory_space<vmem>>, vector<16xi32>,
    %get3A_781 = vector.shape_cast %get3A_780 : vector<16xi32> to vector<16xi32>
    %swap3A_782 = arith.constant 0 : i32
    %swap3A_783 = arith.index_cast %swap3A_782 : i32 to index
    %swap3A_784 = arith.constant 0 : index
    %swap3A_785 = tpu.vector_load %arg7[%swap3A_783, %swap3A_784] {strides = array<i32>} : memref<2x128xi32, #tpu.memory_space<vmem>>, vector<1x16xi32>,
    %swap3A_786 = vector.shape_cast %swap3A_785 : vector<1x16xi32> to vector<16xi32>
    %swap3A_787 = vector.shape_cast %get3A_781 : vector<16xi32> to vector<1x16xi32>
    tpu.vector_store %arg7[%swap3A_783, %swap3A_784], %swap3A_787 {strides = array<i32>} : memref<2x128xi32, #tpu.memory_space<vmem>>, vector<1x16xi32>,
    %get3A_788 = arith.constant 16 : index
    %get3A_789 = tpu.vector_load %arg6[%get3A_788] {strides = array<i32>} : memref<224xi32, #tpu.memory_space<vmem>>, vector<16xi32>,
    %get3A_790 = vector.shape_cast %get3A_789 : vector<16xi32> to vector<16xi32>
    %swap3A_791 = arith.constant 0 : i32
    %swap3A_792 = arith.index_cast %swap3A_791 : i32 to index
    %swap3A_793 = arith.constant 16 : index
    %swap3A_794 = tpu.vector_load %arg7[%swap3A_792, %swap3A_793] {strides = array<i32>} : memref<2x128xi32, #tpu.memory_space<vmem>>, vector<1x16xi32>,
    %swap3A_795 = vector.shape_cast %swap3A_794 : vector<1x16xi32> to vector<16xi32>
    %swap3A_796 = vector.shape_cast %get3A_790 : vector<16xi32> to vector<1x16xi32>
    tpu.vector_store %arg7[%swap3A_792, %swap3A_793], %swap3A_796 {strides = array<i32>} : memref<2x128xi32, #tpu.memory_space<vmem>>, vector<1x16xi32>,
    %get3A_797 = arith.constant 32 : index
    %get3A_798 = tpu.vector_load %arg6[%get3A_797] {strides = array<i32>} : memref<224xi32, #tpu.memory_space<vmem>>, vector<16xi32>,
    %get3A_799 = vector.shape_cast %get3A_798 : vector<16xi32> to vector<16xi32>
    %swap3A_800 = arith.constant 0 : i32
    %swap3A_801 = arith.index_cast %swap3A_800 : i32 to index
    %swap3A_802 = arith.constant 32 : index
    %swap3A_803 = tpu.vector_load %arg7[%swap3A_801, %swap3A_802] {strides = array<i32>} : memref<2x128xi32, #tpu.memory_space<vmem>>, vector<1x16xi32>,
    %swap3A_804 = vector.shape_cast %swap3A_803 : vector<1x16xi32> to vector<16xi32>
    %swap3A_805 = vector.shape_cast %get3A_799 : vector<16xi32> to vector<1x16xi32>
    tpu.vector_store %arg7[%swap3A_801, %swap3A_802], %swap3A_805 {strides = array<i32>} : memref<2x128xi32, #tpu.memory_space<vmem>>, vector<1x16xi32>,
    %get3A_806 = arith.constant 48 : index
    %get3A_807 = tpu.vector_load %arg6[%get3A_806] {strides = array<i32>} : memref<224xi32, #tpu.memory_space<vmem>>, vector<16xi32>,
    %get3A_808 = vector.shape_cast %get3A_807 : vector<16xi32> to vector<16xi32>
    %swap3A_809 = arith.constant 0 : i32
    %swap3A_810 = arith.index_cast %swap3A_809 : i32 to index
    %swap3A_811 = arith.constant 48 : index
    %swap3A_812 = tpu.vector_load %arg7[%swap3A_810, %swap3A_811] {strides = array<i32>} : memref<2x128xi32, #tpu.memory_space<vmem>>, vector<1x16xi32>,
    %swap3A_813 = vector.shape_cast %swap3A_812 : vector<1x16xi32> to vector<16xi32>
    %swap3A_814 = vector.shape_cast %get3A_808 : vector<16xi32> to vector<1x16xi32>
    tpu.vector_store %arg7[%swap3A_810, %swap3A_811], %swap3A_814 {strides = array<i32>} : memref<2x128xi32, #tpu.memory_space<vmem>>, vector<1x16xi32>,
    %get3A_815 = arith.constant 64 : index
    %get3A_816 = tpu.vector_load %arg6[%get3A_815] {strides = array<i32>} : memref<224xi32, #tpu.memory_space<vmem>>, vector<16xi32>,
    %get3A_817 = vector.shape_cast %get3A_816 : vector<16xi32> to vector<16xi32>
    %swap3A_818 = arith.constant 0 : i32
    %swap3A_819 = arith.index_cast %swap3A_818 : i32 to index
    %swap3A_820 = arith.constant 64 : index
    %swap3A_821 = tpu.vector_load %arg7[%swap3A_819, %swap3A_820] {strides = array<i32>} : memref<2x128xi32, #tpu.memory_space<vmem>>, vector<1x16xi32>,
    %swap3A_822 = vector.shape_cast %swap3A_821 : vector<1x16xi32> to vector<16xi32>
    %swap3A_823 = vector.shape_cast %get3A_817 : vector<16xi32> to vector<1x16xi32>
    tpu.vector_store %arg7[%swap3A_819, %swap3A_820], %swap3A_823 {strides = array<i32>} : memref<2x128xi32, #tpu.memory_space<vmem>>, vector<1x16xi32>,
    %get3A_824 = arith.constant 80 : index
    %get3A_825 = tpu.vector_load %arg6[%get3A_824] {strides = array<i32>} : memref<224xi32, #tpu.memory_space<vmem>>, vector<16xi32>,
    %get3A_826 = vector.shape_cast %get3A_825 : vector<16xi32> to vector<16xi32>
    %swap3A_827 = arith.constant 0 : i32
    %swap3A_828 = arith.index_cast %swap3A_827 : i32 to index
    %swap3A_829 = arith.constant 80 : index
    %swap3A_830 = tpu.vector_load %arg7[%swap3A_828, %swap3A_829] {strides = array<i32>} : memref<2x128xi32, #tpu.memory_space<vmem>>, vector<1x16xi32>,
    %swap3A_831 = vector.shape_cast %swap3A_830 : vector<1x16xi32> to vector<16xi32>
    %swap3A_832 = vector.shape_cast %get3A_826 : vector<16xi32> to vector<1x16xi32>
    tpu.vector_store %arg7[%swap3A_828, %swap3A_829], %swap3A_832 {strides = array<i32>} : memref<2x128xi32, #tpu.memory_space<vmem>>, vector<1x16xi32>,
    %get3A_833 = arith.constant 96 : index
    %get3A_834 = tpu.vector_load %arg6[%get3A_833] {strides = array<i32>} : memref<224xi32, #tpu.memory_space<vmem>>, vector<16xi32>,
    %get3A_835 = vector.shape_cast %get3A_834 : vector<16xi32> to vector<16xi32>
    %swap3A_836 = arith.constant 0 : i32
    %swap3A_837 = arith.index_cast %swap3A_836 : i32 to index
    %swap3A_838 = arith.constant 96 : index
    %swap3A_839 = tpu.vector_load %arg7[%swap3A_837, %swap3A_838] {strides = array<i32>} : memref<2x128xi32, #tpu.memory_space<vmem>>, vector<1x16xi32>,
    %swap3A_840 = vector.shape_cast %swap3A_839 : vector<1x16xi32> to vector<16xi32>
    %swap3A_841 = vector.shape_cast %get3A_835 : vector<16xi32> to vector<1x16xi32>
    tpu.vector_store %arg7[%swap3A_837, %swap3A_838], %swap3A_841 {strides = array<i32>} : memref<2x128xi32, #tpu.memory_space<vmem>>, vector<1x16xi32>,
    %get3A_842 = arith.constant 112 : index
    %get3A_843 = tpu.vector_load %arg6[%get3A_842] {strides = array<i32>} : memref<224xi32, #tpu.memory_space<vmem>>, vector<16xi32>,
    %get3A_844 = vector.shape_cast %get3A_843 : vector<16xi32> to vector<16xi32>
    %swap3A_845 = arith.constant 0 : i32
    %swap3A_846 = arith.index_cast %swap3A_845 : i32 to index
    %swap3A_847 = arith.constant 112 : index
    %swap3A_848 = tpu.vector_load %arg7[%swap3A_846, %swap3A_847] {strides = array<i32>} : memref<2x128xi32, #tpu.memory_space<vmem>>, vector<1x16xi32>,
    %swap3A_849 = vector.shape_cast %swap3A_848 : vector<1x16xi32> to vector<16xi32>
    %swap3A_850 = vector.shape_cast %get3A_844 : vector<16xi32> to vector<1x16xi32>
    tpu.vector_store %arg7[%swap3A_846, %swap3A_847], %swap3A_850 {strides = array<i32>} : memref<2x128xi32, #tpu.memory_space<vmem>>, vector<1x16xi32>,
    %get3A_851 = arith.constant 128 : index
    %get3A_852 = tpu.vector_load %arg6[%get3A_851] {strides = array<i32>} : memref<224xi32, #tpu.memory_space<vmem>>, vector<16xi32>,
    %get3A_853 = vector.shape_cast %get3A_852 : vector<16xi32> to vector<16xi32>
    %swap3A_854 = arith.constant 1 : i32
    %swap3A_855 = arith.index_cast %swap3A_854 : i32 to index
    %swap3A_856 = arith.constant 0 : index
    %swap3A_857 = tpu.vector_load %arg7[%swap3A_855, %swap3A_856] {strides = array<i32>} : memref<2x128xi32, #tpu.memory_space<vmem>>, vector<1x16xi32>,
    %swap3A_858 = vector.shape_cast %swap3A_857 : vector<1x16xi32> to vector<16xi32>
    %swap3A_859 = vector.shape_cast %get3A_853 : vector<16xi32> to vector<1x16xi32>
    tpu.vector_store %arg7[%swap3A_855, %swap3A_856], %swap3A_859 {strides = array<i32>} : memref<2x128xi32, #tpu.memory_space<vmem>>, vector<1x16xi32>,
    %get3A_860 = arith.constant 144 : index
    %get3A_861 = tpu.vector_load %arg6[%get3A_860] {strides = array<i32>} : memref<224xi32, #tpu.memory_space<vmem>>, vector<16xi32>,
    %get3A_862 = vector.shape_cast %get3A_861 : vector<16xi32> to vector<16xi32>
    %swap3A_863 = arith.constant 1 : i32
    %swap3A_864 = arith.index_cast %swap3A_863 : i32 to index
    %swap3A_865 = arith.constant 16 : index
    %swap3A_866 = tpu.vector_load %arg7[%swap3A_864, %swap3A_865] {strides = array<i32>} : memref<2x128xi32, #tpu.memory_space<vmem>>, vector<1x16xi32>,
    %swap3A_867 = vector.shape_cast %swap3A_866 : vector<1x16xi32> to vector<16xi32>
    %swap3A_868 = vector.shape_cast %get3A_862 : vector<16xi32> to vector<1x16xi32>
    tpu.vector_store %arg7[%swap3A_864, %swap3A_865], %swap3A_868 {strides = array<i32>} : memref<2x128xi32, #tpu.memory_space<vmem>>, vector<1x16xi32>,
    %get3A_869 = arith.constant 160 : index
    %get3A_870 = tpu.vector_load %arg6[%get3A_869] {strides = array<i32>} : memref<224xi32, #tpu.memory_space<vmem>>, vector<16xi32>,
    %get3A_871 = vector.shape_cast %get3A_870 : vector<16xi32> to vector<16xi32>
    %swap3A_872 = arith.constant 1 : i32
    %swap3A_873 = arith.index_cast %swap3A_872 : i32 to index
    %swap3A_874 = arith.constant 32 : index
    %swap3A_875 = tpu.vector_load %arg7[%swap3A_873, %swap3A_874] {strides = array<i32>} : memref<2x128xi32, #tpu.memory_space<vmem>>, vector<1x16xi32>,
    %swap3A_876 = vector.shape_cast %swap3A_875 : vector<1x16xi32> to vector<16xi32>
    %swap3A_877 = vector.shape_cast %get3A_871 : vector<16xi32> to vector<1x16xi32>
    tpu.vector_store %arg7[%swap3A_873, %swap3A_874], %swap3A_877 {strides = array<i32>} : memref<2x128xi32, #tpu.memory_space<vmem>>, vector<1x16xi32>,
    %get3A_878 = arith.constant 176 : index
    %get3A_879 = tpu.vector_load %arg6[%get3A_878] {strides = array<i32>} : memref<224xi32, #tpu.memory_space<vmem>>, vector<16xi32>,
    %get3A_880 = vector.shape_cast %get3A_879 : vector<16xi32> to vector<16xi32>
    %swap3A_881 = arith.constant 1 : i32
    %swap3A_882 = arith.index_cast %swap3A_881 : i32 to index
    %swap3A_883 = arith.constant 48 : index
    %swap3A_884 = tpu.vector_load %arg7[%swap3A_882, %swap3A_883] {strides = array<i32>} : memref<2x128xi32, #tpu.memory_space<vmem>>, vector<1x16xi32>,
    %swap3A_885 = vector.shape_cast %swap3A_884 : vector<1x16xi32> to vector<16xi32>
    %swap3A_886 = vector.shape_cast %get3A_880 : vector<16xi32> to vector<1x16xi32>
    tpu.vector_store %arg7[%swap3A_882, %swap3A_883], %swap3A_886 {strides = array<i32>} : memref<2x128xi32, #tpu.memory_space<vmem>>, vector<1x16xi32>,
    %get3A_887 = arith.constant 192 : index
    %get3A_888 = tpu.vector_load %arg6[%get3A_887] {strides = array<i32>} : memref<224xi32, #tpu.memory_space<vmem>>, vector<16xi32>,
    %get3A_889 = vector.shape_cast %get3A_888 : vector<16xi32> to vector<16xi32>
    %swap3A_890 = arith.constant 1 : i32
    %swap3A_891 = arith.index_cast %swap3A_890 : i32 to index
    %swap3A_892 = arith.constant 64 : index
    %swap3A_893 = tpu.vector_load %arg7[%swap3A_891, %swap3A_892] {strides = array<i32>} : memref<2x128xi32, #tpu.memory_space<vmem>>, vector<1x16xi32>,
    %swap3A_894 = vector.shape_cast %swap3A_893 : vector<1x16xi32> to vector<16xi32>
    %swap3A_895 = vector.shape_cast %get3A_889 : vector<16xi32> to vector<1x16xi32>
    tpu.vector_store %arg7[%swap3A_891, %swap3A_892], %swap3A_895 {strides = array<i32>} : memref<2x128xi32, #tpu.memory_space<vmem>>, vector<1x16xi32>,
    %get3A_896 = arith.constant 208 : index
    %get3A_897 = tpu.vector_load %arg6[%get3A_896] {strides = array<i32>} : memref<224xi32, #tpu.memory_space<vmem>>, vector<16xi32>,
    %get3A_898 = vector.shape_cast %get3A_897 : vector<16xi32> to vector<16xi32>
    %swap3A_899 = arith.constant 1 : i32
    %swap3A_900 = arith.index_cast %swap3A_899 : i32 to index
    %swap3A_901 = arith.constant 80 : index
    %swap3A_902 = tpu.vector_load %arg7[%swap3A_900, %swap3A_901] {strides = array<i32>} : memref<2x128xi32, #tpu.memory_space<vmem>>, vector<1x16xi32>,
    %swap3A_903 = vector.shape_cast %swap3A_902 : vector<1x16xi32> to vector<16xi32>
    %swap3A_904 = vector.shape_cast %get3A_898 : vector<16xi32> to vector<1x16xi32>
    tpu.vector_store %arg7[%swap3A_900, %swap3A_901], %swap3A_904 {strides = array<i32>} : memref<2x128xi32, #tpu.memory_space<vmem>>, vector<1x16xi32>,
    %dma_wait3A_905 = arith.constant 0 : i32
    %dma_wait3A_906 = tpu.memref_slice %arg2[%mul3A_2, %dma_wait3A_905] : memref<10000x128xf32, #tpu.memory_space<hbm>> -> memref<224x128xf32, #tpu.memory_space<hbm>>
    %dma_wait3A_907 = arith.constant 0 : i32
    %dma_wait3A_908 = tpu.memref_slice %arg2[%mul3A_2, %dma_wait3A_907] : memref<10000x128xf32, #tpu.memory_space<hbm>> -> memref<224x128xf32, #tpu.memory_space<hbm>>
    tpu.wait_dma2 semaphore(%arg10 : memref<!tpu.dma_semaphore, #tpu.memory_space<semaphore_mem>>) src(%dma_wait3A_908 : memref<224x128xf32, #tpu.memory_space<hbm>>) dst(%arg5 : memref<224x128xf32, #tpu.memory_space<vmem>>)
    %barrier3A = arith.constant 0 : index
    tpu.barrier barrier_id(%barrier3A)
    %dma_start3A_909 = arith.constant 0 : i32
    %dma_start3A_910 = arith.constant 0 : i32
    %dma_start3A_911 = arith.constant 0 : i32
    %dma_start3A_912 = tpu.memref_slice %arg5[%dma_start3A_910, %dma_start3A_911] : memref<224x128xf32, #tpu.memory_space<vmem>> -> memref<128x128xf32, #tpu.memory_space<vmem>>
    %dma_start3A_913 = arith.constant 0 : i32
    %dma_start3A_914 = tpu.memref_slice %arg7[%dma_start3A_909, %dma_start3A_913] : memref<2x128xi32, #tpu.memory_space<vmem>> -> memref<1x128xi32, #tpu.memory_space<vmem>>
    %dma_start3A_915 = tpu.memref_squeeze %dma_start3A_914 : memref<1x128xi32, #tpu.memory_space<vmem>> -> memref<128xi32, #tpu.memory_space<vmem>>
    %dma_start3A_916 = arith.constant 0 : i32
    %dma_start3A_917 = arith.constant 0 : i32
    %dma_start3A_918 = tpu.memref_slice %arg9[%dma_start3A_916, %dma_start3A_917] : memref<136x128xf32, #tpu.memory_space<vmem_shared>> -> memref<136x128xf32, #tpu.memory_space<vmem_shared>>
    tpu.enqueue_indirect_dma source(%dma_start3A_912 : memref<128x128xf32, #tpu.memory_space<vmem>>) target(%dma_start3A_918 : memref<136x128xf32, #tpu.memory_space<vmem_shared>>) offsets(%dma_start3A_915 : memref<128xi32, #tpu.memory_space<vmem>>) semaphore(%arg12 : memref<!tpu.dma_semaphore, #tpu.memory_space<semaphore_mem>>) {add = true}
    %dma_start3A_919 = arith.constant 1 : i32
    %dma_start3A_920 = arith.constant 128 : i32
    %dma_start3A_921 = arith.constant 0 : i32
    %dma_start3A_922 = tpu.memref_slice %arg5[%dma_start3A_920, %dma_start3A_921] : memref<224x128xf32, #tpu.memory_space<vmem>> -> memref<96x128xf32, #tpu.memory_space<vmem>>
    %dma_start3A_923 = arith.constant 0 : i32
    %dma_start3A_924 = tpu.memref_slice %arg7[%dma_start3A_919, %dma_start3A_923] : memref<2x128xi32, #tpu.memory_space<vmem>> -> memref<1x96xi32, #tpu.memory_space<vmem>>
    %dma_start3A_925 = tpu.memref_squeeze %dma_start3A_924 : memref<1x96xi32, #tpu.memory_space<vmem>> -> memref<96xi32, #tpu.memory_space<vmem>>
    %dma_start3A_926 = arith.constant 0 : i32
    %dma_start3A_927 = arith.constant 0 : i32
    %dma_start3A_928 = tpu.memref_slice %arg9[%dma_start3A_926, %dma_start3A_927] : memref<136x128xf32, #tpu.memory_space<vmem_shared>> -> memref<136x128xf32, #tpu.memory_space<vmem_shared>>
    tpu.enqueue_indirect_dma source(%dma_start3A_922 : memref<96x128xf32, #tpu.memory_space<vmem>>) target(%dma_start3A_928 : memref<136x128xf32, #tpu.memory_space<vmem_shared>>) offsets(%dma_start3A_925 : memref<96xi32, #tpu.memory_space<vmem>>) semaphore(%arg12 : memref<!tpu.dma_semaphore, #tpu.memory_space<semaphore_mem>>) {add = true}
    %dma_wait3A_929 = arith.constant 0 : i32
    %dma_wait3A_930 = arith.constant 0 : i32
    %dma_wait3A_931 = arith.constant 0 : i32
    %dma_wait3A_932 = tpu.memref_slice %arg5[%dma_wait3A_930, %dma_wait3A_931] : memref<224x128xf32, #tpu.memory_space<vmem>> -> memref<128x128xf32, #tpu.memory_space<vmem>>
    %dma_wait3A_933 = arith.constant 0 : i32
    %dma_wait3A_934 = tpu.memref_slice %arg7[%dma_wait3A_929, %dma_wait3A_933] : memref<2x128xi32, #tpu.memory_space<vmem>> -> memref<1x128xi32, #tpu.memory_space<vmem>>
    %dma_wait3A_935 = tpu.memref_squeeze %dma_wait3A_934 : memref<1x128xi32, #tpu.memory_space<vmem>> -> memref<128xi32, #tpu.memory_space<vmem>>
    %dma_wait3A_936 = arith.constant 0 : i32
    %dma_wait3A_937 = arith.constant 0 : i32
    %dma_wait3A_938 = tpu.memref_slice %arg9[%dma_wait3A_936, %dma_wait3A_937] : memref<136x128xf32, #tpu.memory_space<vmem_shared>> -> memref<136x128xf32, #tpu.memory_space<vmem_shared>>
    tpu.wait_indirect_dma semaphore(%arg12 : memref<!tpu.dma_semaphore, #tpu.memory_space<semaphore_mem>>) src(%dma_wait3A_932 : memref<128x128xf32, #tpu.memory_space<vmem>>) dst(%dma_wait3A_938 : memref<136x128xf32, #tpu.memory_space<vmem_shared>>)
    %dma_wait3A_939 = arith.constant 1 : i32
    %dma_wait3A_940 = arith.constant 128 : i32
    %dma_wait3A_941 = arith.constant 0 : i32
    %dma_wait3A_942 = tpu.memref_slice %arg5[%dma_wait3A_940, %dma_wait3A_941] : memref<224x128xf32, #tpu.memory_space<vmem>> -> memref<96x128xf32, #tpu.memory_space<vmem>>
    %dma_wait3A_943 = arith.constant 0 : i32
    %dma_wait3A_944 = tpu.memref_slice %arg7[%dma_wait3A_939, %dma_wait3A_943] : memref<2x128xi32, #tpu.memory_space<vmem>> -> memref<1x96xi32, #tpu.memory_space<vmem>>
    %dma_wait3A_945 = tpu.memref_squeeze %dma_wait3A_944 : memref<1x96xi32, #tpu.memory_space<vmem>> -> memref<96xi32, #tpu.memory_space<vmem>>
    %dma_wait3A_946 = arith.constant 0 : i32
    %dma_wait3A_947 = arith.constant 0 : i32
    %dma_wait3A_948 = tpu.memref_slice %arg9[%dma_wait3A_946, %dma_wait3A_947] : memref<136x128xf32, #tpu.memory_space<vmem_shared>> -> memref<136x128xf32, #tpu.memory_space<vmem_shared>>
    tpu.wait_indirect_dma semaphore(%arg12 : memref<!tpu.dma_semaphore, #tpu.memory_space<semaphore_mem>>) src(%dma_wait3A_942 : memref<96x128xf32, #tpu.memory_space<vmem>>) dst(%dma_wait3A_948 : memref<136x128xf32, #tpu.memory_space<vmem_shared>>)
    %barrier3A_949 = arith.constant 0 : index
    tpu.barrier barrier_id(%barrier3A_949)
    %eq3A = arith.constant 0 : i32
    %eq3A_950 = arith.cmpi eq, %arg1, %eq3A : i32
    %convert_element_type3A = arith.extui %eq3A_950 : i1 to i32
    %cond3A = arith.constant 0 : i32
    %cond3A_951 = arith.cmpi ne, %convert_element_type3A, %cond3A : i32
    scf.if %cond3A_951 {
      %mul3A_952 = arith.constant 136 : i32
      %mul3A_953 = arith.muli %arg0, %mul3A_952 : i32
      "tpu.region"() ({
        %run_scoped3A = tpu.sem_alloc : memref<!tpu.dma_semaphore, #tpu.memory_space<semaphore_mem>>
        %dma_start3A_954 = arith.constant 0 : i32
        %dma_start3A_955 = tpu.memref_slice %arg4[%mul3A_953, %dma_start3A_954] : memref<272x128xf32, #tpu.memory_space<hbm>> -> memref<136x128xf32, #tpu.memory_space<hbm>>
        tpu.enqueue_dma source(%arg9 : memref<136x128xf32, #tpu.memory_space<vmem_shared>>) target(%dma_start3A_955 : memref<136x128xf32, #tpu.memory_space<hbm>>) target_semaphore(%run_scoped3A : memref<!tpu.dma_semaphore, #tpu.memory_space<semaphore_mem>>)
        %dma_wait3A_956 = arith.constant 0 : i32
        %dma_wait3A_957 = tpu.memref_slice %arg4[%mul3A_953, %dma_wait3A_956] : memref<272x128xf32, #tpu.memory_space<hbm>> -> memref<136x128xf32, #tpu.memory_space<hbm>>
        tpu.wait_dma2 semaphore(%run_scoped3A : memref<!tpu.dma_semaphore, #tpu.memory_space<semaphore_mem>>) src(%arg9 : memref<136x128xf32, #tpu.memory_space<vmem_shared>>) dst(%dma_wait3A_957 : memref<136x128xf32, #tpu.memory_space<hbm>>)
        tpu.yield
      }) : () -> ()
    } else {
    }
    return
  }
}

module attributes {stable_mosaic.version = 14 : i64} {
  func.func @_tc_mlp(%arg0: memref<272x128xf32, #tpu.memory_space<vmem>>, %arg1: memref<128x128xf32, #tpu.memory_space<vmem>>, %arg2: memref<128x1xf32, #tpu.memory_space<vmem>>, %arg3: memref<64x128xf32, #tpu.memory_space<vmem>>, %arg4: memref<64x192xf32, #tpu.memory_space<vmem>>, %arg5: memref<1x64xf32, #tpu.memory_space<vmem>>, %arg6: memref<64x64xf32, #tpu.memory_space<vmem>>, %arg7: memref<64x1xf32, #tpu.memory_space<vmem>>, %arg8: memref<64x128xf32, #tpu.memory_space<vmem>>) attributes {dimension_semantics = [], scalar_prefetch = 0 : i64, scratch_operands = 0 : i64, tpu.core_type = #tpu.core_type<tc>} {
    %get3A = arith.constant 0 : index
    %get3A_0 = arith.constant 0 : index
    %get3A_1 = vector.load %arg0[%get3A, %get3A_0] : memref<272x128xf32, #tpu.memory_space<vmem>>, vector<128x128xf32>
    %get3A_2 = arith.constant 136 : index
    %get3A_3 = arith.constant 0 : index
    %get3A_4 = vector.load %arg0[%get3A_2, %get3A_3] : memref<272x128xf32, #tpu.memory_space<vmem>>, vector<128x128xf32>
    %add3A = arith.addf %get3A_1, %get3A_4 : vector<128x128xf32>
    %get3A_5 = arith.constant 0 : index
    %get3A_6 = arith.constant 0 : index
    %get3A_7 = vector.load %arg1[%get3A_5, %get3A_6] : memref<128x128xf32, #tpu.memory_space<vmem>>, vector<128x128xf32>
    %add3A_8 = arith.addf %add3A, %get3A_7 : vector<128x128xf32>
    %get3A_9 = arith.constant 0 : index
    %get3A_10 = arith.constant 0 : index
    %get3A_11 = vector.load %arg2[%get3A_9, %get3A_10] : memref<128x1xf32, #tpu.memory_space<vmem>>, vector<128x1xf32>
    %div3A = vector.broadcast %get3A_11 : vector<128x1xf32> to vector<128x128xf32>
    %div3A_12 = arith.divf %add3A_8, %div3A : vector<128x128xf32>
    %get3A_13 = arith.constant 0 : index
    %get3A_14 = arith.constant 0 : index
    %get3A_15 = vector.load %arg3[%get3A_13, %get3A_14] : memref<64x128xf32, #tpu.memory_space<vmem>>, vector<64x128xf32>
    %get3A_16 = arith.constant 0 : index
    %get3A_17 = arith.constant 0 : index
    %get3A_18 = vector.load %arg4[%get3A_16, %get3A_17] : memref<64x192xf32, #tpu.memory_space<vmem>>, vector<64x64xf32>
    %dot_general3A = arith.constant dense<0.000000e+00> : vector<128x64xf32>
    %dot_general3A_19 = tpu.matmul %get3A_15, %get3A_18, %dot_general3A {dimension_numbers = #tpu.dot_dimension_numbers<[0], [1], [1], [0], [0, 1, 1, 0], [], []>, transpose_lhs_hint = false} : vector<64x128xf32>, vector<64x64xf32>, vector<128x64xf32> -> vector<128x64xf32>
    %get3A_20 = arith.constant 0 : index
    %get3A_21 = arith.constant 64 : index
    %get3A_22 = vector.load %arg4[%get3A_20, %get3A_21] : memref<64x192xf32, #tpu.memory_space<vmem>>, vector<64x128xf32>
    %dot_general3A_23 = arith.constant dense<0.000000e+00> : vector<128x64xf32>
    %dot_general3A_24 = tpu.matmul %div3A_12, %get3A_22, %dot_general3A_23 {dimension_numbers = #tpu.dot_dimension_numbers<[1], [1], [0], [0], [0, 0, 1, 0], [], []>, transpose_lhs_hint = false} : vector<128x128xf32>, vector<64x128xf32>, vector<128x64xf32> -> vector<128x64xf32>
    %add3A_25 = arith.addf %dot_general3A_19, %dot_general3A_24 : vector<128x64xf32>
    %get3A_26 = arith.constant 0 : index
    %get3A_27 = arith.constant 0 : index
    %get3A_28 = vector.load %arg5[%get3A_26, %get3A_27] : memref<1x64xf32, #tpu.memory_space<vmem>>, vector<1x64xf32>
    %add3A_29 = vector.broadcast %get3A_28 : vector<1x64xf32> to vector<128x64xf32>
    %add3A_30 = arith.addf %add3A_25, %add3A_29 : vector<128x64xf32>
    %gt3A = arith.constant 0.000000e+00 : f32
    %gt3A_31 = vector.broadcast %gt3A : f32 to vector<128x64xf32>
    %gt3A_32 = arith.cmpf ogt, %add3A_30, %gt3A_31 : vector<128x64xf32>
    %exp3A = math.exp %add3A_30 : vector<128x64xf32>
    %sub3A = arith.constant 1.000000e+00 : f32
    %sub3A_33 = vector.broadcast %sub3A : f32 to vector<128x64xf32>
    %sub3A_34 = arith.subf %exp3A, %sub3A_33 : vector<128x64xf32>
    %mul3A = arith.constant 1.67326319 : f32
    %mul3A_35 = vector.broadcast %mul3A : f32 to vector<128x64xf32>
    %mul3A_36 = arith.mulf %mul3A_35, %sub3A_34 : vector<128x64xf32>
    %select_n3A = arith.select %gt3A_32, %add3A_30, %mul3A_36 : vector<128x64xi1>, vector<128x64xf32>
    %mul3A_37 = arith.constant 1.05070102 : f32
    %mul3A_38 = vector.broadcast %mul3A_37 : f32 to vector<128x64xf32>
    %mul3A_39 = arith.mulf %mul3A_38, %select_n3A : vector<128x64xf32>
    %get3A_40 = arith.constant 0 : index
    %get3A_41 = arith.constant 0 : index
    %get3A_42 = vector.load %arg6[%get3A_40, %get3A_41] : memref<64x64xf32, #tpu.memory_space<vmem>>, vector<64x64xf32>
    %dot_general3A_43 = arith.constant dense<0.000000e+00> : vector<64x128xf32>
    %dot_general3A_44 = tpu.matmul %get3A_42, %mul3A_39, %dot_general3A_43 {dimension_numbers = #tpu.dot_dimension_numbers<[0], [1], [1], [0], [0, 1, 1, 0], [], []>, transpose_lhs_hint = false} : vector<64x64xf32>, vector<128x64xf32>, vector<64x128xf32> -> vector<64x128xf32>
    %get3A_45 = arith.constant 0 : index
    %get3A_46 = arith.constant 0 : index
    %get3A_47 = vector.load %arg7[%get3A_45, %get3A_46] : memref<64x1xf32, #tpu.memory_space<vmem>>, vector<64x1xf32>
    %add3A_48 = vector.broadcast %get3A_47 : vector<64x1xf32> to vector<64x128xf32>
    %add3A_49 = arith.addf %dot_general3A_44, %add3A_48 : vector<64x128xf32>
    %swap3A = arith.constant 0 : index
    %swap3A_50 = arith.constant 0 : index
    %swap3A_51 = vector.load %arg8[%swap3A, %swap3A_50] : memref<64x128xf32, #tpu.memory_space<vmem>>, vector<64x128xf32>
    tpu.vector_store %arg8[%swap3A, %swap3A_50], %add3A_49 {strides = array<i32>} : memref<64x128xf32, #tpu.memory_space<vmem>>, vector<64x128xf32>,
    return
  }
}

module attributes {stable_mosaic.version = 14 : i64} {
  func.func @_tc_hist_tail(%arg0: memref<1x10000xi32, #tpu.memory_space<vmem>>, %arg1: memref<10000x128xf32, #tpu.memory_space<any>>, %arg2: memref<128x1xf32, #tpu.memory_space<vmem>>, %arg3: memref<128x128xf32, #tpu.memory_space<vmem>>, %arg4: memref<2x512x128xf32, #tpu.memory_space<vmem>>, %arg5: memref<!tpu.dma_semaphore, #tpu.memory_space<semaphore_mem>>, %arg6: memref<!tpu.dma_semaphore, #tpu.memory_space<semaphore_mem>>) attributes {dimension_semantics = [], scalar_prefetch = 0 : i64, scratch_operands = 3 : i64, tpu.core_type = #tpu.core_type<tc>} {
    %dma_start3A = arith.constant 0 : i32
    %dma_start3A_0 = arith.constant 0 : i32
    %dma_start3A_1 = arith.constant 0 : i32
    %dma_start3A_2 = tpu.memref_slice %arg4[%dma_start3A, %dma_start3A_0, %dma_start3A_1] : memref<2x512x128xf32, #tpu.memory_space<vmem>> -> memref<1x512x128xf32, #tpu.memory_space<vmem>>
    %dma_start3A_3 = tpu.memref_squeeze %dma_start3A_2 : memref<1x512x128xf32, #tpu.memory_space<vmem>> -> memref<512x128xf32, #tpu.memory_space<vmem>>
    %dma_start3A_4 = arith.constant 7168 : i32
    %dma_start3A_5 = arith.constant 0 : i32
    %dma_start3A_6 = tpu.memref_slice %arg1[%dma_start3A_4, %dma_start3A_5] : memref<10000x128xf32, #tpu.memory_space<any>> -> memref<512x128xf32, #tpu.memory_space<any>>
    tpu.enqueue_dma source(%dma_start3A_6 : memref<512x128xf32, #tpu.memory_space<any>>) target(%dma_start3A_3 : memref<512x128xf32, #tpu.memory_space<vmem>>) target_semaphore(%arg5 : memref<!tpu.dma_semaphore, #tpu.memory_space<semaphore_mem>>)
    %dma_start3A_7 = arith.constant 1 : i32
    %dma_start3A_8 = arith.constant 0 : i32
    %dma_start3A_9 = arith.constant 0 : i32
    %dma_start3A_10 = tpu.memref_slice %arg4[%dma_start3A_7, %dma_start3A_8, %dma_start3A_9] : memref<2x512x128xf32, #tpu.memory_space<vmem>> -> memref<1x512x128xf32, #tpu.memory_space<vmem>>
    %dma_start3A_11 = tpu.memref_squeeze %dma_start3A_10 : memref<1x512x128xf32, #tpu.memory_space<vmem>> -> memref<512x128xf32, #tpu.memory_space<vmem>>
    %dma_start3A_12 = arith.constant 7680 : i32
    %dma_start3A_13 = arith.constant 0 : i32
    %dma_start3A_14 = tpu.memref_slice %arg1[%dma_start3A_12, %dma_start3A_13] : memref<10000x128xf32, #tpu.memory_space<any>> -> memref<512x128xf32, #tpu.memory_space<any>>
    tpu.enqueue_dma source(%dma_start3A_14 : memref<512x128xf32, #tpu.memory_space<any>>) target(%dma_start3A_11 : memref<512x128xf32, #tpu.memory_space<vmem>>) target_semaphore(%arg6 : memref<!tpu.dma_semaphore, #tpu.memory_space<semaphore_mem>>)
    %iota3A = tpu.iota {dimensions = array<i32: 0>} : vector<128x1xi32>
    %broadcast_in_dim3A = arith.constant 0.000000e+00 : f32
    %broadcast_in_dim3A_15 = vector.broadcast %broadcast_in_dim3A : f32 to vector<128x1xf32>
    %broadcast_in_dim3A_16 = arith.constant 0.000000e+00 : f32
    %broadcast_in_dim3A_17 = vector.broadcast %broadcast_in_dim3A_16 : f32 to vector<128x128xf32>
    %get3A = arith.constant 0 : index
    %get3A_18 = arith.constant 0 : index
    %get3A_19 = vector.load %arg0[%get3A, %get3A_18] : memref<1x10000xi32, #tpu.memory_space<vmem>>, vector<1x512xi32>
    %eq3A = vector.broadcast %get3A_19 : vector<1x512xi32> to vector<128x512xi32>
    %eq3A_20 = vector.broadcast %iota3A : vector<128x1xi32> to vector<128x512xi32>
    %eq3A_21 = arith.cmpi eq, %eq3A, %eq3A_20 : vector<128x512xi32>
    %convert_element_type3A = arith.extui %eq3A_21 : vector<128x512xi1> to vector<128x512xi32>
    %convert_element_type3A_22 = arith.sitofp %convert_element_type3A : vector<128x512xi32> to vector<128x512xf32>
    %broadcast_in_dim3A_23 = arith.constant 1.000000e+00 : f32
    %broadcast_in_dim3A_24 = vector.broadcast %broadcast_in_dim3A_23 : f32 to vector<512x1xf32>
    %dot_general3A = arith.constant dense<0.000000e+00> : vector<128x1xf32>
    %dot_general3A_25 = tpu.matmul %convert_element_type3A_22, %broadcast_in_dim3A_24, %dot_general3A {dimension_numbers = #tpu.dot_dimension_numbers<[1], [0], [0], [1], [0, 0, 1, 1], [], []>, transpose_lhs_hint = false} : vector<128x512xf32>, vector<512x1xf32>, vector<128x1xf32> -> vector<128x1xf32>
    %add3A = arith.addf %broadcast_in_dim3A_15, %dot_general3A_25 : vector<128x1xf32>
    %get3A_26 = arith.constant 0 : index
    %get3A_27 = arith.constant 512 : index
    %get3A_28 = vector.load %arg0[%get3A_26, %get3A_27] : memref<1x10000xi32, #tpu.memory_space<vmem>>, vector<1x512xi32>
    %eq3A_29 = vector.broadcast %get3A_28 : vector<1x512xi32> to vector<128x512xi32>
    %eq3A_30 = vector.broadcast %iota3A : vector<128x1xi32> to vector<128x512xi32>
    %eq3A_31 = arith.cmpi eq, %eq3A_29, %eq3A_30 : vector<128x512xi32>
    %convert_element_type3A_32 = arith.extui %eq3A_31 : vector<128x512xi1> to vector<128x512xi32>
    %convert_element_type3A_33 = arith.sitofp %convert_element_type3A_32 : vector<128x512xi32> to vector<128x512xf32>
    %broadcast_in_dim3A_34 = arith.constant 1.000000e+00 : f32
    %broadcast_in_dim3A_35 = vector.broadcast %broadcast_in_dim3A_34 : f32 to vector<512x1xf32>
    %dot_general3A_36 = arith.constant dense<0.000000e+00> : vector<128x1xf32>
    %dot_general3A_37 = tpu.matmul %convert_element_type3A_33, %broadcast_in_dim3A_35, %dot_general3A_36 {dimension_numbers = #tpu.dot_dimension_numbers<[1], [0], [0], [1], [0, 0, 1, 1], [], []>, transpose_lhs_hint = false} : vector<128x512xf32>, vector<512x1xf32>, vector<128x1xf32> -> vector<128x1xf32>
    %add3A_38 = arith.addf %add3A, %dot_general3A_37 : vector<128x1xf32>
    %get3A_39 = arith.constant 0 : index
    %get3A_40 = arith.constant 1024 : index
    %get3A_41 = vector.load %arg0[%get3A_39, %get3A_40] : memref<1x10000xi32, #tpu.memory_space<vmem>>, vector<1x512xi32>
    %eq3A_42 = vector.broadcast %get3A_41 : vector<1x512xi32> to vector<128x512xi32>
    %eq3A_43 = vector.broadcast %iota3A : vector<128x1xi32> to vector<128x512xi32>
    %eq3A_44 = arith.cmpi eq, %eq3A_42, %eq3A_43 : vector<128x512xi32>
    %convert_element_type3A_45 = arith.extui %eq3A_44 : vector<128x512xi1> to vector<128x512xi32>
    %convert_element_type3A_46 = arith.sitofp %convert_element_type3A_45 : vector<128x512xi32> to vector<128x512xf32>
    %broadcast_in_dim3A_47 = arith.constant 1.000000e+00 : f32
    %broadcast_in_dim3A_48 = vector.broadcast %broadcast_in_dim3A_47 : f32 to vector<512x1xf32>
    %dot_general3A_49 = arith.constant dense<0.000000e+00> : vector<128x1xf32>
    %dot_general3A_50 = tpu.matmul %convert_element_type3A_46, %broadcast_in_dim3A_48, %dot_general3A_49 {dimension_numbers = #tpu.dot_dimension_numbers<[1], [0], [0], [1], [0, 0, 1, 1], [], []>, transpose_lhs_hint = false} : vector<128x512xf32>, vector<512x1xf32>, vector<128x1xf32> -> vector<128x1xf32>
    %add3A_51 = arith.addf %add3A_38, %dot_general3A_50 : vector<128x1xf32>
    %get3A_52 = arith.constant 0 : index
    %get3A_53 = arith.constant 1536 : index
    %get3A_54 = vector.load %arg0[%get3A_52, %get3A_53] : memref<1x10000xi32, #tpu.memory_space<vmem>>, vector<1x512xi32>
    %eq3A_55 = vector.broadcast %get3A_54 : vector<1x512xi32> to vector<128x512xi32>
    %eq3A_56 = vector.broadcast %iota3A : vector<128x1xi32> to vector<128x512xi32>
    %eq3A_57 = arith.cmpi eq, %eq3A_55, %eq3A_56 : vector<128x512xi32>
    %convert_element_type3A_58 = arith.extui %eq3A_57 : vector<128x512xi1> to vector<128x512xi32>
    %convert_element_type3A_59 = arith.sitofp %convert_element_type3A_58 : vector<128x512xi32> to vector<128x512xf32>
    %broadcast_in_dim3A_60 = arith.constant 1.000000e+00 : f32
    %broadcast_in_dim3A_61 = vector.broadcast %broadcast_in_dim3A_60 : f32 to vector<512x1xf32>
    %dot_general3A_62 = arith.constant dense<0.000000e+00> : vector<128x1xf32>
    %dot_general3A_63 = tpu.matmul %convert_element_type3A_59, %broadcast_in_dim3A_61, %dot_general3A_62 {dimension_numbers = #tpu.dot_dimension_numbers<[1], [0], [0], [1], [0, 0, 1, 1], [], []>, transpose_lhs_hint = false} : vector<128x512xf32>, vector<512x1xf32>, vector<128x1xf32> -> vector<128x1xf32>
    %add3A_64 = arith.addf %add3A_51, %dot_general3A_63 : vector<128x1xf32>
    %get3A_65 = arith.constant 0 : index
    %get3A_66 = arith.constant 2048 : index
    %get3A_67 = vector.load %arg0[%get3A_65, %get3A_66] : memref<1x10000xi32, #tpu.memory_space<vmem>>, vector<1x512xi32>
    %eq3A_68 = vector.broadcast %get3A_67 : vector<1x512xi32> to vector<128x512xi32>
    %eq3A_69 = vector.broadcast %iota3A : vector<128x1xi32> to vector<128x512xi32>
    %eq3A_70 = arith.cmpi eq, %eq3A_68, %eq3A_69 : vector<128x512xi32>
    %convert_element_type3A_71 = arith.extui %eq3A_70 : vector<128x512xi1> to vector<128x512xi32>
    %convert_element_type3A_72 = arith.sitofp %convert_element_type3A_71 : vector<128x512xi32> to vector<128x512xf32>
    %broadcast_in_dim3A_73 = arith.constant 1.000000e+00 : f32
    %broadcast_in_dim3A_74 = vector.broadcast %broadcast_in_dim3A_73 : f32 to vector<512x1xf32>
    %dot_general3A_75 = arith.constant dense<0.000000e+00> : vector<128x1xf32>
    %dot_general3A_76 = tpu.matmul %convert_element_type3A_72, %broadcast_in_dim3A_74, %dot_general3A_75 {dimension_numbers = #tpu.dot_dimension_numbers<[1], [0], [0], [1], [0, 0, 1, 1], [], []>, transpose_lhs_hint = false} : vector<128x512xf32>, vector<512x1xf32>, vector<128x1xf32> -> vector<128x1xf32>
    %add3A_77 = arith.addf %add3A_64, %dot_general3A_76 : vector<128x1xf32>
    %get3A_78 = arith.constant 0 : index
    %get3A_79 = arith.constant 2560 : index
    %get3A_80 = vector.load %arg0[%get3A_78, %get3A_79] : memref<1x10000xi32, #tpu.memory_space<vmem>>, vector<1x512xi32>
    %eq3A_81 = vector.broadcast %get3A_80 : vector<1x512xi32> to vector<128x512xi32>
    %eq3A_82 = vector.broadcast %iota3A : vector<128x1xi32> to vector<128x512xi32>
    %eq3A_83 = arith.cmpi eq, %eq3A_81, %eq3A_82 : vector<128x512xi32>
    %convert_element_type3A_84 = arith.extui %eq3A_83 : vector<128x512xi1> to vector<128x512xi32>
    %convert_element_type3A_85 = arith.sitofp %convert_element_type3A_84 : vector<128x512xi32> to vector<128x512xf32>
    %broadcast_in_dim3A_86 = arith.constant 1.000000e+00 : f32
    %broadcast_in_dim3A_87 = vector.broadcast %broadcast_in_dim3A_86 : f32 to vector<512x1xf32>
    %dot_general3A_88 = arith.constant dense<0.000000e+00> : vector<128x1xf32>
    %dot_general3A_89 = tpu.matmul %convert_element_type3A_85, %broadcast_in_dim3A_87, %dot_general3A_88 {dimension_numbers = #tpu.dot_dimension_numbers<[1], [0], [0], [1], [0, 0, 1, 1], [], []>, transpose_lhs_hint = false} : vector<128x512xf32>, vector<512x1xf32>, vector<128x1xf32> -> vector<128x1xf32>
    %add3A_90 = arith.addf %add3A_77, %dot_general3A_89 : vector<128x1xf32>
    %get3A_91 = arith.constant 0 : index
    %get3A_92 = arith.constant 3072 : index
    %get3A_93 = vector.load %arg0[%get3A_91, %get3A_92] : memref<1x10000xi32, #tpu.memory_space<vmem>>, vector<1x512xi32>
    %eq3A_94 = vector.broadcast %get3A_93 : vector<1x512xi32> to vector<128x512xi32>
    %eq3A_95 = vector.broadcast %iota3A : vector<128x1xi32> to vector<128x512xi32>
    %eq3A_96 = arith.cmpi eq, %eq3A_94, %eq3A_95 : vector<128x512xi32>
    %convert_element_type3A_97 = arith.extui %eq3A_96 : vector<128x512xi1> to vector<128x512xi32>
    %convert_element_type3A_98 = arith.sitofp %convert_element_type3A_97 : vector<128x512xi32> to vector<128x512xf32>
    %broadcast_in_dim3A_99 = arith.constant 1.000000e+00 : f32
    %broadcast_in_dim3A_100 = vector.broadcast %broadcast_in_dim3A_99 : f32 to vector<512x1xf32>
    %dot_general3A_101 = arith.constant dense<0.000000e+00> : vector<128x1xf32>
    %dot_general3A_102 = tpu.matmul %convert_element_type3A_98, %broadcast_in_dim3A_100, %dot_general3A_101 {dimension_numbers = #tpu.dot_dimension_numbers<[1], [0], [0], [1], [0, 0, 1, 1], [], []>, transpose_lhs_hint = false} : vector<128x512xf32>, vector<512x1xf32>, vector<128x1xf32> -> vector<128x1xf32>
    %add3A_103 = arith.addf %add3A_90, %dot_general3A_102 : vector<128x1xf32>
    %get3A_104 = arith.constant 0 : index
    %get3A_105 = arith.constant 3584 : index
    %get3A_106 = vector.load %arg0[%get3A_104, %get3A_105] : memref<1x10000xi32, #tpu.memory_space<vmem>>, vector<1x512xi32>
    %eq3A_107 = vector.broadcast %get3A_106 : vector<1x512xi32> to vector<128x512xi32>
    %eq3A_108 = vector.broadcast %iota3A : vector<128x1xi32> to vector<128x512xi32>
    %eq3A_109 = arith.cmpi eq, %eq3A_107, %eq3A_108 : vector<128x512xi32>
    %convert_element_type3A_110 = arith.extui %eq3A_109 : vector<128x512xi1> to vector<128x512xi32>
    %convert_element_type3A_111 = arith.sitofp %convert_element_type3A_110 : vector<128x512xi32> to vector<128x512xf32>
    %broadcast_in_dim3A_112 = arith.constant 1.000000e+00 : f32
    %broadcast_in_dim3A_113 = vector.broadcast %broadcast_in_dim3A_112 : f32 to vector<512x1xf32>
    %dot_general3A_114 = arith.constant dense<0.000000e+00> : vector<128x1xf32>
    %dot_general3A_115 = tpu.matmul %convert_element_type3A_111, %broadcast_in_dim3A_113, %dot_general3A_114 {dimension_numbers = #tpu.dot_dimension_numbers<[1], [0], [0], [1], [0, 0, 1, 1], [], []>, transpose_lhs_hint = false} : vector<128x512xf32>, vector<512x1xf32>, vector<128x1xf32> -> vector<128x1xf32>
    %add3A_116 = arith.addf %add3A_103, %dot_general3A_115 : vector<128x1xf32>
    %get3A_117 = arith.constant 0 : index
    %get3A_118 = arith.constant 4096 : index
    %get3A_119 = vector.load %arg0[%get3A_117, %get3A_118] : memref<1x10000xi32, #tpu.memory_space<vmem>>, vector<1x512xi32>
    %eq3A_120 = vector.broadcast %get3A_119 : vector<1x512xi32> to vector<128x512xi32>
    %eq3A_121 = vector.broadcast %iota3A : vector<128x1xi32> to vector<128x512xi32>
    %eq3A_122 = arith.cmpi eq, %eq3A_120, %eq3A_121 : vector<128x512xi32>
    %convert_element_type3A_123 = arith.extui %eq3A_122 : vector<128x512xi1> to vector<128x512xi32>
    %convert_element_type3A_124 = arith.sitofp %convert_element_type3A_123 : vector<128x512xi32> to vector<128x512xf32>
    %broadcast_in_dim3A_125 = arith.constant 1.000000e+00 : f32
    %broadcast_in_dim3A_126 = vector.broadcast %broadcast_in_dim3A_125 : f32 to vector<512x1xf32>
    %dot_general3A_127 = arith.constant dense<0.000000e+00> : vector<128x1xf32>
    %dot_general3A_128 = tpu.matmul %convert_element_type3A_124, %broadcast_in_dim3A_126, %dot_general3A_127 {dimension_numbers = #tpu.dot_dimension_numbers<[1], [0], [0], [1], [0, 0, 1, 1], [], []>, transpose_lhs_hint = false} : vector<128x512xf32>, vector<512x1xf32>, vector<128x1xf32> -> vector<128x1xf32>
    %add3A_129 = arith.addf %add3A_116, %dot_general3A_128 : vector<128x1xf32>
    %get3A_130 = arith.constant 0 : index
    %get3A_131 = arith.constant 4608 : index
    %get3A_132 = vector.load %arg0[%get3A_130, %get3A_131] : memref<1x10000xi32, #tpu.memory_space<vmem>>, vector<1x512xi32>
    %eq3A_133 = vector.broadcast %get3A_132 : vector<1x512xi32> to vector<128x512xi32>
    %eq3A_134 = vector.broadcast %iota3A : vector<128x1xi32> to vector<128x512xi32>
    %eq3A_135 = arith.cmpi eq, %eq3A_133, %eq3A_134 : vector<128x512xi32>
    %convert_element_type3A_136 = arith.extui %eq3A_135 : vector<128x512xi1> to vector<128x512xi32>
    %convert_element_type3A_137 = arith.sitofp %convert_element_type3A_136 : vector<128x512xi32> to vector<128x512xf32>
    %broadcast_in_dim3A_138 = arith.constant 1.000000e+00 : f32
    %broadcast_in_dim3A_139 = vector.broadcast %broadcast_in_dim3A_138 : f32 to vector<512x1xf32>
    %dot_general3A_140 = arith.constant dense<0.000000e+00> : vector<128x1xf32>
    %dot_general3A_141 = tpu.matmul %convert_element_type3A_137, %broadcast_in_dim3A_139, %dot_general3A_140 {dimension_numbers = #tpu.dot_dimension_numbers<[1], [0], [0], [1], [0, 0, 1, 1], [], []>, transpose_lhs_hint = false} : vector<128x512xf32>, vector<512x1xf32>, vector<128x1xf32> -> vector<128x1xf32>
    %add3A_142 = arith.addf %add3A_129, %dot_general3A_141 : vector<128x1xf32>
    %get3A_143 = arith.constant 0 : index
    %get3A_144 = arith.constant 5120 : index
    %get3A_145 = vector.load %arg0[%get3A_143, %get3A_144] : memref<1x10000xi32, #tpu.memory_space<vmem>>, vector<1x512xi32>
    %eq3A_146 = vector.broadcast %get3A_145 : vector<1x512xi32> to vector<128x512xi32>
    %eq3A_147 = vector.broadcast %iota3A : vector<128x1xi32> to vector<128x512xi32>
    %eq3A_148 = arith.cmpi eq, %eq3A_146, %eq3A_147 : vector<128x512xi32>
    %convert_element_type3A_149 = arith.extui %eq3A_148 : vector<128x512xi1> to vector<128x512xi32>
    %convert_element_type3A_150 = arith.sitofp %convert_element_type3A_149 : vector<128x512xi32> to vector<128x512xf32>
    %broadcast_in_dim3A_151 = arith.constant 1.000000e+00 : f32
    %broadcast_in_dim3A_152 = vector.broadcast %broadcast_in_dim3A_151 : f32 to vector<512x1xf32>
    %dot_general3A_153 = arith.constant dense<0.000000e+00> : vector<128x1xf32>
    %dot_general3A_154 = tpu.matmul %convert_element_type3A_150, %broadcast_in_dim3A_152, %dot_general3A_153 {dimension_numbers = #tpu.dot_dimension_numbers<[1], [0], [0], [1], [0, 0, 1, 1], [], []>, transpose_lhs_hint = false} : vector<128x512xf32>, vector<512x1xf32>, vector<128x1xf32> -> vector<128x1xf32>
    %add3A_155 = arith.addf %add3A_142, %dot_general3A_154 : vector<128x1xf32>
    %get3A_156 = arith.constant 0 : index
    %get3A_157 = arith.constant 5632 : index
    %get3A_158 = vector.load %arg0[%get3A_156, %get3A_157] : memref<1x10000xi32, #tpu.memory_space<vmem>>, vector<1x512xi32>
    %eq3A_159 = vector.broadcast %get3A_158 : vector<1x512xi32> to vector<128x512xi32>
    %eq3A_160 = vector.broadcast %iota3A : vector<128x1xi32> to vector<128x512xi32>
    %eq3A_161 = arith.cmpi eq, %eq3A_159, %eq3A_160 : vector<128x512xi32>
    %convert_element_type3A_162 = arith.extui %eq3A_161 : vector<128x512xi1> to vector<128x512xi32>
    %convert_element_type3A_163 = arith.sitofp %convert_element_type3A_162 : vector<128x512xi32> to vector<128x512xf32>
    %broadcast_in_dim3A_164 = arith.constant 1.000000e+00 : f32
    %broadcast_in_dim3A_165 = vector.broadcast %broadcast_in_dim3A_164 : f32 to vector<512x1xf32>
    %dot_general3A_166 = arith.constant dense<0.000000e+00> : vector<128x1xf32>
    %dot_general3A_167 = tpu.matmul %convert_element_type3A_163, %broadcast_in_dim3A_165, %dot_general3A_166 {dimension_numbers = #tpu.dot_dimension_numbers<[1], [0], [0], [1], [0, 0, 1, 1], [], []>, transpose_lhs_hint = false} : vector<128x512xf32>, vector<512x1xf32>, vector<128x1xf32> -> vector<128x1xf32>
    %add3A_168 = arith.addf %add3A_155, %dot_general3A_167 : vector<128x1xf32>
    %get3A_169 = arith.constant 0 : index
    %get3A_170 = arith.constant 6144 : index
    %get3A_171 = vector.load %arg0[%get3A_169, %get3A_170] : memref<1x10000xi32, #tpu.memory_space<vmem>>, vector<1x512xi32>
    %eq3A_172 = vector.broadcast %get3A_171 : vector<1x512xi32> to vector<128x512xi32>
    %eq3A_173 = vector.broadcast %iota3A : vector<128x1xi32> to vector<128x512xi32>
    %eq3A_174 = arith.cmpi eq, %eq3A_172, %eq3A_173 : vector<128x512xi32>
    %convert_element_type3A_175 = arith.extui %eq3A_174 : vector<128x512xi1> to vector<128x512xi32>
    %convert_element_type3A_176 = arith.sitofp %convert_element_type3A_175 : vector<128x512xi32> to vector<128x512xf32>
    %broadcast_in_dim3A_177 = arith.constant 1.000000e+00 : f32
    %broadcast_in_dim3A_178 = vector.broadcast %broadcast_in_dim3A_177 : f32 to vector<512x1xf32>
    %dot_general3A_179 = arith.constant dense<0.000000e+00> : vector<128x1xf32>
    %dot_general3A_180 = tpu.matmul %convert_element_type3A_176, %broadcast_in_dim3A_178, %dot_general3A_179 {dimension_numbers = #tpu.dot_dimension_numbers<[1], [0], [0], [1], [0, 0, 1, 1], [], []>, transpose_lhs_hint = false} : vector<128x512xf32>, vector<512x1xf32>, vector<128x1xf32> -> vector<128x1xf32>
    %add3A_181 = arith.addf %add3A_168, %dot_general3A_180 : vector<128x1xf32>
    %get3A_182 = arith.constant 0 : index
    %get3A_183 = arith.constant 6656 : index
    %get3A_184 = vector.load %arg0[%get3A_182, %get3A_183] : memref<1x10000xi32, #tpu.memory_space<vmem>>, vector<1x512xi32>
    %eq3A_185 = vector.broadcast %get3A_184 : vector<1x512xi32> to vector<128x512xi32>
    %eq3A_186 = vector.broadcast %iota3A : vector<128x1xi32> to vector<128x512xi32>
    %eq3A_187 = arith.cmpi eq, %eq3A_185, %eq3A_186 : vector<128x512xi32>
    %convert_element_type3A_188 = arith.extui %eq3A_187 : vector<128x512xi1> to vector<128x512xi32>
    %convert_element_type3A_189 = arith.sitofp %convert_element_type3A_188 : vector<128x512xi32> to vector<128x512xf32>
    %broadcast_in_dim3A_190 = arith.constant 1.000000e+00 : f32
    %broadcast_in_dim3A_191 = vector.broadcast %broadcast_in_dim3A_190 : f32 to vector<512x1xf32>
    %dot_general3A_192 = arith.constant dense<0.000000e+00> : vector<128x1xf32>
    %dot_general3A_193 = tpu.matmul %convert_element_type3A_189, %broadcast_in_dim3A_191, %dot_general3A_192 {dimension_numbers = #tpu.dot_dimension_numbers<[1], [0], [0], [1], [0, 0, 1, 1], [], []>, transpose_lhs_hint = false} : vector<128x512xf32>, vector<512x1xf32>, vector<128x1xf32> -> vector<128x1xf32>
    %add3A_194 = arith.addf %add3A_181, %dot_general3A_193 : vector<128x1xf32>
    %get3A_195 = arith.constant 0 : index
    %get3A_196 = arith.constant 7168 : index
    %get3A_197 = vector.load %arg0[%get3A_195, %get3A_196] : memref<1x10000xi32, #tpu.memory_space<vmem>>, vector<1x512xi32>
    %eq3A_198 = vector.broadcast %get3A_197 : vector<1x512xi32> to vector<128x512xi32>
    %eq3A_199 = vector.broadcast %iota3A : vector<128x1xi32> to vector<128x512xi32>
    %eq3A_200 = arith.cmpi eq, %eq3A_198, %eq3A_199 : vector<128x512xi32>
    %convert_element_type3A_201 = arith.extui %eq3A_200 : vector<128x512xi1> to vector<128x512xi32>
    %convert_element_type3A_202 = arith.sitofp %convert_element_type3A_201 : vector<128x512xi32> to vector<128x512xf32>
    %broadcast_in_dim3A_203 = arith.constant 1.000000e+00 : f32
    %broadcast_in_dim3A_204 = vector.broadcast %broadcast_in_dim3A_203 : f32 to vector<512x1xf32>
    %dot_general3A_205 = arith.constant dense<0.000000e+00> : vector<128x1xf32>
    %dot_general3A_206 = tpu.matmul %convert_element_type3A_202, %broadcast_in_dim3A_204, %dot_general3A_205 {dimension_numbers = #tpu.dot_dimension_numbers<[1], [0], [0], [1], [0, 0, 1, 1], [], []>, transpose_lhs_hint = false} : vector<128x512xf32>, vector<512x1xf32>, vector<128x1xf32> -> vector<128x1xf32>
    %add3A_207 = arith.addf %add3A_194, %dot_general3A_206 : vector<128x1xf32>
    %dma_wait3A = arith.constant 0 : i32
    %dma_wait3A_208 = arith.constant 0 : i32
    %dma_wait3A_209 = arith.constant 0 : i32
    %dma_wait3A_210 = tpu.memref_slice %arg4[%dma_wait3A, %dma_wait3A_208, %dma_wait3A_209] : memref<2x512x128xf32, #tpu.memory_space<vmem>> -> memref<1x512x128xf32, #tpu.memory_space<vmem>>
    %dma_wait3A_211 = tpu.memref_squeeze %dma_wait3A_210 : memref<1x512x128xf32, #tpu.memory_space<vmem>> -> memref<512x128xf32, #tpu.memory_space<vmem>>
    %dma_wait3A_212 = arith.constant 7168 : i32
    %dma_wait3A_213 = arith.constant 0 : i32
    %dma_wait3A_214 = tpu.memref_slice %arg1[%dma_wait3A_212, %dma_wait3A_213] : memref<10000x128xf32, #tpu.memory_space<any>> -> memref<512x128xf32, #tpu.memory_space<any>>
    tpu.wait_dma2 semaphore(%arg5 : memref<!tpu.dma_semaphore, #tpu.memory_space<semaphore_mem>>) src(%dma_wait3A_214 : memref<512x128xf32, #tpu.memory_space<any>>) dst(%dma_wait3A_211 : memref<512x128xf32, #tpu.memory_space<vmem>>)
    %dma_start3A_215 = arith.constant 0 : i32
    %dma_start3A_216 = arith.constant 0 : i32
    %dma_start3A_217 = arith.constant 0 : i32
    %dma_start3A_218 = tpu.memref_slice %arg4[%dma_start3A_215, %dma_start3A_216, %dma_start3A_217] : memref<2x512x128xf32, #tpu.memory_space<vmem>> -> memref<1x512x128xf32, #tpu.memory_space<vmem>>
    %dma_start3A_219 = tpu.memref_squeeze %dma_start3A_218 : memref<1x512x128xf32, #tpu.memory_space<vmem>> -> memref<512x128xf32, #tpu.memory_space<vmem>>
    %dma_start3A_220 = arith.constant 8192 : i32
    %dma_start3A_221 = arith.constant 0 : i32
    %dma_start3A_222 = tpu.memref_slice %arg1[%dma_start3A_220, %dma_start3A_221] : memref<10000x128xf32, #tpu.memory_space<any>> -> memref<512x128xf32, #tpu.memory_space<any>>
    tpu.enqueue_dma source(%dma_start3A_222 : memref<512x128xf32, #tpu.memory_space<any>>) target(%dma_start3A_219 : memref<512x128xf32, #tpu.memory_space<vmem>>) target_semaphore(%arg5 : memref<!tpu.dma_semaphore, #tpu.memory_space<semaphore_mem>>)
    %get3A_223 = arith.constant 0 : index
    %get3A_224 = arith.constant 0 : index
    %get3A_225 = arith.constant 0 : index
    %get3A_226 = vector.load %arg4[%get3A_223, %get3A_224, %get3A_225] : memref<2x512x128xf32, #tpu.memory_space<vmem>>, vector<1x512x128xf32>
    %get3A_227 = vector.shape_cast %get3A_226 : vector<1x512x128xf32> to vector<512x128xf32>
    %dot_general3A_228 = arith.constant dense<0.000000e+00> : vector<128x128xf32>
    %dot_general3A_229 = tpu.matmul %convert_element_type3A_202, %get3A_227, %dot_general3A_228 {dimension_numbers = #tpu.dot_dimension_numbers<[1], [0], [0], [1], [0, 0, 1, 1], [], []>, transpose_lhs_hint = false} : vector<128x512xf32>, vector<512x128xf32>, vector<128x128xf32> -> vector<128x128xf32>
    %add3A_230 = arith.addf %broadcast_in_dim3A_17, %dot_general3A_229 : vector<128x128xf32>
    %get3A_231 = arith.constant 0 : index
    %get3A_232 = arith.constant 7680 : index
    %get3A_233 = vector.load %arg0[%get3A_231, %get3A_232] : memref<1x10000xi32, #tpu.memory_space<vmem>>, vector<1x512xi32>
    %eq3A_234 = vector.broadcast %get3A_233 : vector<1x512xi32> to vector<128x512xi32>
    %eq3A_235 = vector.broadcast %iota3A : vector<128x1xi32> to vector<128x512xi32>
    %eq3A_236 = arith.cmpi eq, %eq3A_234, %eq3A_235 : vector<128x512xi32>
    %convert_element_type3A_237 = arith.extui %eq3A_236 : vector<128x512xi1> to vector<128x512xi32>
    %convert_element_type3A_238 = arith.sitofp %convert_element_type3A_237 : vector<128x512xi32> to vector<128x512xf32>
    %broadcast_in_dim3A_239 = arith.constant 1.000000e+00 : f32
    %broadcast_in_dim3A_240 = vector.broadcast %broadcast_in_dim3A_239 : f32 to vector<512x1xf32>
    %dot_general3A_241 = arith.constant dense<0.000000e+00> : vector<128x1xf32>
    %dot_general3A_242 = tpu.matmul %convert_element_type3A_238, %broadcast_in_dim3A_240, %dot_general3A_241 {dimension_numbers = #tpu.dot_dimension_numbers<[1], [0], [0], [1], [0, 0, 1, 1], [], []>, transpose_lhs_hint = false} : vector<128x512xf32>, vector<512x1xf32>, vector<128x1xf32> -> vector<128x1xf32>
    %add3A_243 = arith.addf %add3A_207, %dot_general3A_242 : vector<128x1xf32>
    %dma_wait3A_244 = arith.constant 1 : i32
    %dma_wait3A_245 = arith.constant 0 : i32
    %dma_wait3A_246 = arith.constant 0 : i32
    %dma_wait3A_247 = tpu.memref_slice %arg4[%dma_wait3A_244, %dma_wait3A_245, %dma_wait3A_246] : memref<2x512x128xf32, #tpu.memory_space<vmem>> -> memref<1x512x128xf32, #tpu.memory_space<vmem>>
    %dma_wait3A_248 = tpu.memref_squeeze %dma_wait3A_247 : memref<1x512x128xf32, #tpu.memory_space<vmem>> -> memref<512x128xf32, #tpu.memory_space<vmem>>
    %dma_wait3A_249 = arith.constant 7680 : i32
    %dma_wait3A_250 = arith.constant 0 : i32
    %dma_wait3A_251 = tpu.memref_slice %arg1[%dma_wait3A_249, %dma_wait3A_250] : memref<10000x128xf32, #tpu.memory_space<any>> -> memref<512x128xf32, #tpu.memory_space<any>>
    tpu.wait_dma2 semaphore(%arg6 : memref<!tpu.dma_semaphore, #tpu.memory_space<semaphore_mem>>) src(%dma_wait3A_251 : memref<512x128xf32, #tpu.memory_space<any>>) dst(%dma_wait3A_248 : memref<512x128xf32, #tpu.memory_space<vmem>>)
    %dma_start3A_252 = arith.constant 1 : i32
    %dma_start3A_253 = arith.constant 0 : i32
    %dma_start3A_254 = arith.constant 0 : i32
    %dma_start3A_255 = tpu.memref_slice %arg4[%dma_start3A_252, %dma_start3A_253, %dma_start3A_254] : memref<2x512x128xf32, #tpu.memory_space<vmem>> -> memref<1x512x128xf32, #tpu.memory_space<vmem>>
    %dma_start3A_256 = tpu.memref_squeeze %dma_start3A_255 : memref<1x512x128xf32, #tpu.memory_space<vmem>> -> memref<512x128xf32, #tpu.memory_space<vmem>>
    %dma_start3A_257 = arith.constant 8704 : i32
    %dma_start3A_258 = arith.constant 0 : i32
    %dma_start3A_259 = tpu.memref_slice %arg1[%dma_start3A_257, %dma_start3A_258] : memref<10000x128xf32, #tpu.memory_space<any>> -> memref<512x128xf32, #tpu.memory_space<any>>
    tpu.enqueue_dma source(%dma_start3A_259 : memref<512x128xf32, #tpu.memory_space<any>>) target(%dma_start3A_256 : memref<512x128xf32, #tpu.memory_space<vmem>>) target_semaphore(%arg6 : memref<!tpu.dma_semaphore, #tpu.memory_space<semaphore_mem>>)
    %get3A_260 = arith.constant 1 : index
    %get3A_261 = arith.constant 0 : index
    %get3A_262 = arith.constant 0 : index
    %get3A_263 = vector.load %arg4[%get3A_260, %get3A_261, %get3A_262] : memref<2x512x128xf32, #tpu.memory_space<vmem>>, vector<1x512x128xf32>
    %get3A_264 = vector.shape_cast %get3A_263 : vector<1x512x128xf32> to vector<512x128xf32>
    %dot_general3A_265 = arith.constant dense<0.000000e+00> : vector<128x128xf32>
    %dot_general3A_266 = tpu.matmul %convert_element_type3A_238, %get3A_264, %dot_general3A_265 {dimension_numbers = #tpu.dot_dimension_numbers<[1], [0], [0], [1], [0, 0, 1, 1], [], []>, transpose_lhs_hint = false} : vector<128x512xf32>, vector<512x128xf32>, vector<128x128xf32> -> vector<128x128xf32>
    %add3A_267 = arith.addf %add3A_230, %dot_general3A_266 : vector<128x128xf32>
    %get3A_268 = arith.constant 0 : index
    %get3A_269 = arith.constant 8192 : index
    %get3A_270 = vector.load %arg0[%get3A_268, %get3A_269] : memref<1x10000xi32, #tpu.memory_space<vmem>>, vector<1x512xi32>
    %eq3A_271 = vector.broadcast %get3A_270 : vector<1x512xi32> to vector<128x512xi32>
    %eq3A_272 = vector.broadcast %iota3A : vector<128x1xi32> to vector<128x512xi32>
    %eq3A_273 = arith.cmpi eq, %eq3A_271, %eq3A_272 : vector<128x512xi32>
    %convert_element_type3A_274 = arith.extui %eq3A_273 : vector<128x512xi1> to vector<128x512xi32>
    %convert_element_type3A_275 = arith.sitofp %convert_element_type3A_274 : vector<128x512xi32> to vector<128x512xf32>
    %broadcast_in_dim3A_276 = arith.constant 1.000000e+00 : f32
    %broadcast_in_dim3A_277 = vector.broadcast %broadcast_in_dim3A_276 : f32 to vector<512x1xf32>
    %dot_general3A_278 = arith.constant dense<0.000000e+00> : vector<128x1xf32>
    %dot_general3A_279 = tpu.matmul %convert_element_type3A_275, %broadcast_in_dim3A_277, %dot_general3A_278 {dimension_numbers = #tpu.dot_dimension_numbers<[1], [0], [0], [1], [0, 0, 1, 1], [], []>, transpose_lhs_hint = false} : vector<128x512xf32>, vector<512x1xf32>, vector<128x1xf32> -> vector<128x1xf32>
    %add3A_280 = arith.addf %add3A_243, %dot_general3A_279 : vector<128x1xf32>
    %dma_wait3A_281 = arith.constant 0 : i32
    %dma_wait3A_282 = arith.constant 0 : i32
    %dma_wait3A_283 = arith.constant 0 : i32
    %dma_wait3A_284 = tpu.memref_slice %arg4[%dma_wait3A_281, %dma_wait3A_282, %dma_wait3A_283] : memref<2x512x128xf32, #tpu.memory_space<vmem>> -> memref<1x512x128xf32, #tpu.memory_space<vmem>>
    %dma_wait3A_285 = tpu.memref_squeeze %dma_wait3A_284 : memref<1x512x128xf32, #tpu.memory_space<vmem>> -> memref<512x128xf32, #tpu.memory_space<vmem>>
    %dma_wait3A_286 = arith.constant 8192 : i32
    %dma_wait3A_287 = arith.constant 0 : i32
    %dma_wait3A_288 = tpu.memref_slice %arg1[%dma_wait3A_286, %dma_wait3A_287] : memref<10000x128xf32, #tpu.memory_space<any>> -> memref<512x128xf32, #tpu.memory_space<any>>
    tpu.wait_dma2 semaphore(%arg5 : memref<!tpu.dma_semaphore, #tpu.memory_space<semaphore_mem>>) src(%dma_wait3A_288 : memref<512x128xf32, #tpu.memory_space<any>>) dst(%dma_wait3A_285 : memref<512x128xf32, #tpu.memory_space<vmem>>)
    %dma_start3A_289 = arith.constant 0 : i32
    %dma_start3A_290 = arith.constant 0 : i32
    %dma_start3A_291 = arith.constant 0 : i32
    %dma_start3A_292 = tpu.memref_slice %arg4[%dma_start3A_289, %dma_start3A_290, %dma_start3A_291] : memref<2x512x128xf32, #tpu.memory_space<vmem>> -> memref<1x512x128xf32, #tpu.memory_space<vmem>>
    %dma_start3A_293 = tpu.memref_squeeze %dma_start3A_292 : memref<1x512x128xf32, #tpu.memory_space<vmem>> -> memref<512x128xf32, #tpu.memory_space<vmem>>
    %dma_start3A_294 = arith.constant 9216 : i32
    %dma_start3A_295 = arith.constant 0 : i32
    %dma_start3A_296 = tpu.memref_slice %arg1[%dma_start3A_294, %dma_start3A_295] : memref<10000x128xf32, #tpu.memory_space<any>> -> memref<512x128xf32, #tpu.memory_space<any>>
    tpu.enqueue_dma source(%dma_start3A_296 : memref<512x128xf32, #tpu.memory_space<any>>) target(%dma_start3A_293 : memref<512x128xf32, #tpu.memory_space<vmem>>) target_semaphore(%arg5 : memref<!tpu.dma_semaphore, #tpu.memory_space<semaphore_mem>>)
    %get3A_297 = arith.constant 0 : index
    %get3A_298 = arith.constant 0 : index
    %get3A_299 = arith.constant 0 : index
    %get3A_300 = vector.load %arg4[%get3A_297, %get3A_298, %get3A_299] : memref<2x512x128xf32, #tpu.memory_space<vmem>>, vector<1x512x128xf32>
    %get3A_301 = vector.shape_cast %get3A_300 : vector<1x512x128xf32> to vector<512x128xf32>
    %dot_general3A_302 = arith.constant dense<0.000000e+00> : vector<128x128xf32>
    %dot_general3A_303 = tpu.matmul %convert_element_type3A_275, %get3A_301, %dot_general3A_302 {dimension_numbers = #tpu.dot_dimension_numbers<[1], [0], [0], [1], [0, 0, 1, 1], [], []>, transpose_lhs_hint = false} : vector<128x512xf32>, vector<512x128xf32>, vector<128x128xf32> -> vector<128x128xf32>
    %add3A_304 = arith.addf %add3A_267, %dot_general3A_303 : vector<128x128xf32>
    %get3A_305 = arith.constant 0 : index
    %get3A_306 = arith.constant 8704 : index
    %get3A_307 = vector.load %arg0[%get3A_305, %get3A_306] : memref<1x10000xi32, #tpu.memory_space<vmem>>, vector<1x512xi32>
    %eq3A_308 = vector.broadcast %get3A_307 : vector<1x512xi32> to vector<128x512xi32>
    %eq3A_309 = vector.broadcast %iota3A : vector<128x1xi32> to vector<128x512xi32>
    %eq3A_310 = arith.cmpi eq, %eq3A_308, %eq3A_309 : vector<128x512xi32>
    %convert_element_type3A_311 = arith.extui %eq3A_310 : vector<128x512xi1> to vector<128x512xi32>
    %convert_element_type3A_312 = arith.sitofp %convert_element_type3A_311 : vector<128x512xi32> to vector<128x512xf32>
    %broadcast_in_dim3A_313 = arith.constant 1.000000e+00 : f32
    %broadcast_in_dim3A_314 = vector.broadcast %broadcast_in_dim3A_313 : f32 to vector<512x1xf32>
    %dot_general3A_315 = arith.constant dense<0.000000e+00> : vector<128x1xf32>
    %dot_general3A_316 = tpu.matmul %convert_element_type3A_312, %broadcast_in_dim3A_314, %dot_general3A_315 {dimension_numbers = #tpu.dot_dimension_numbers<[1], [0], [0], [1], [0, 0, 1, 1], [], []>, transpose_lhs_hint = false} : vector<128x512xf32>, vector<512x1xf32>, vector<128x1xf32> -> vector<128x1xf32>
    %add3A_317 = arith.addf %add3A_280, %dot_general3A_316 : vector<128x1xf32>
    %dma_wait3A_318 = arith.constant 1 : i32
    %dma_wait3A_319 = arith.constant 0 : i32
    %dma_wait3A_320 = arith.constant 0 : i32
    %dma_wait3A_321 = tpu.memref_slice %arg4[%dma_wait3A_318, %dma_wait3A_319, %dma_wait3A_320] : memref<2x512x128xf32, #tpu.memory_space<vmem>> -> memref<1x512x128xf32, #tpu.memory_space<vmem>>
    %dma_wait3A_322 = tpu.memref_squeeze %dma_wait3A_321 : memref<1x512x128xf32, #tpu.memory_space<vmem>> -> memref<512x128xf32, #tpu.memory_space<vmem>>
    %dma_wait3A_323 = arith.constant 8704 : i32
    %dma_wait3A_324 = arith.constant 0 : i32
    %dma_wait3A_325 = tpu.memref_slice %arg1[%dma_wait3A_323, %dma_wait3A_324] : memref<10000x128xf32, #tpu.memory_space<any>> -> memref<512x128xf32, #tpu.memory_space<any>>
    tpu.wait_dma2 semaphore(%arg6 : memref<!tpu.dma_semaphore, #tpu.memory_space<semaphore_mem>>) src(%dma_wait3A_325 : memref<512x128xf32, #tpu.memory_space<any>>) dst(%dma_wait3A_322 : memref<512x128xf32, #tpu.memory_space<vmem>>)
    %dma_start3A_326 = arith.constant 1 : i32
    %dma_start3A_327 = arith.constant 0 : i32
    %dma_start3A_328 = arith.constant 0 : i32
    %dma_start3A_329 = tpu.memref_slice %arg4[%dma_start3A_326, %dma_start3A_327, %dma_start3A_328] : memref<2x512x128xf32, #tpu.memory_space<vmem>> -> memref<1x272x128xf32, #tpu.memory_space<vmem>>
    %dma_start3A_330 = tpu.memref_squeeze %dma_start3A_329 : memref<1x272x128xf32, #tpu.memory_space<vmem>> -> memref<272x128xf32, #tpu.memory_space<vmem>>
    %dma_start3A_331 = arith.constant 9728 : i32
    %dma_start3A_332 = arith.constant 0 : i32
    %dma_start3A_333 = tpu.memref_slice %arg1[%dma_start3A_331, %dma_start3A_332] : memref<10000x128xf32, #tpu.memory_space<any>> -> memref<272x128xf32, #tpu.memory_space<any>>
    tpu.enqueue_dma source(%dma_start3A_333 : memref<272x128xf32, #tpu.memory_space<any>>) target(%dma_start3A_330 : memref<272x128xf32, #tpu.memory_space<vmem>>) target_semaphore(%arg6 : memref<!tpu.dma_semaphore, #tpu.memory_space<semaphore_mem>>)
    %get3A_334 = arith.constant 1 : index
    %get3A_335 = arith.constant 0 : index
    %get3A_336 = arith.constant 0 : index
    %get3A_337 = vector.load %arg4[%get3A_334, %get3A_335, %get3A_336] : memref<2x512x128xf32, #tpu.memory_space<vmem>>, vector<1x512x128xf32>
    %get3A_338 = vector.shape_cast %get3A_337 : vector<1x512x128xf32> to vector<512x128xf32>
    %dot_general3A_339 = arith.constant dense<0.000000e+00> : vector<128x128xf32>
    %dot_general3A_340 = tpu.matmul %convert_element_type3A_312, %get3A_338, %dot_general3A_339 {dimension_numbers = #tpu.dot_dimension_numbers<[1], [0], [0], [1], [0, 0, 1, 1], [], []>, transpose_lhs_hint = false} : vector<128x512xf32>, vector<512x128xf32>, vector<128x128xf32> -> vector<128x128xf32>
    %add3A_341 = arith.addf %add3A_304, %dot_general3A_340 : vector<128x128xf32>
    %get3A_342 = arith.constant 0 : index
    %get3A_343 = arith.constant 9216 : index
    %get3A_344 = vector.load %arg0[%get3A_342, %get3A_343] : memref<1x10000xi32, #tpu.memory_space<vmem>>, vector<1x512xi32>
    %eq3A_345 = vector.broadcast %get3A_344 : vector<1x512xi32> to vector<128x512xi32>
    %eq3A_346 = vector.broadcast %iota3A : vector<128x1xi32> to vector<128x512xi32>
    %eq3A_347 = arith.cmpi eq, %eq3A_345, %eq3A_346 : vector<128x512xi32>
    %convert_element_type3A_348 = arith.extui %eq3A_347 : vector<128x512xi1> to vector<128x512xi32>
    %convert_element_type3A_349 = arith.sitofp %convert_element_type3A_348 : vector<128x512xi32> to vector<128x512xf32>
    %broadcast_in_dim3A_350 = arith.constant 1.000000e+00 : f32
    %broadcast_in_dim3A_351 = vector.broadcast %broadcast_in_dim3A_350 : f32 to vector<512x1xf32>
    %dot_general3A_352 = arith.constant dense<0.000000e+00> : vector<128x1xf32>
    %dot_general3A_353 = tpu.matmul %convert_element_type3A_349, %broadcast_in_dim3A_351, %dot_general3A_352 {dimension_numbers = #tpu.dot_dimension_numbers<[1], [0], [0], [1], [0, 0, 1, 1], [], []>, transpose_lhs_hint = false} : vector<128x512xf32>, vector<512x1xf32>, vector<128x1xf32> -> vector<128x1xf32>
    %add3A_354 = arith.addf %add3A_317, %dot_general3A_353 : vector<128x1xf32>
    %dma_wait3A_355 = arith.constant 0 : i32
    %dma_wait3A_356 = arith.constant 0 : i32
    %dma_wait3A_357 = arith.constant 0 : i32
    %dma_wait3A_358 = tpu.memref_slice %arg4[%dma_wait3A_355, %dma_wait3A_356, %dma_wait3A_357] : memref<2x512x128xf32, #tpu.memory_space<vmem>> -> memref<1x512x128xf32, #tpu.memory_space<vmem>>
    %dma_wait3A_359 = tpu.memref_squeeze %dma_wait3A_358 : memref<1x512x128xf32, #tpu.memory_space<vmem>> -> memref<512x128xf32, #tpu.memory_space<vmem>>
    %dma_wait3A_360 = arith.constant 9216 : i32
    %dma_wait3A_361 = arith.constant 0 : i32
    %dma_wait3A_362 = tpu.memref_slice %arg1[%dma_wait3A_360, %dma_wait3A_361] : memref<10000x128xf32, #tpu.memory_space<any>> -> memref<512x128xf32, #tpu.memory_space<any>>
    tpu.wait_dma2 semaphore(%arg5 : memref<!tpu.dma_semaphore, #tpu.memory_space<semaphore_mem>>) src(%dma_wait3A_362 : memref<512x128xf32, #tpu.memory_space<any>>) dst(%dma_wait3A_359 : memref<512x128xf32, #tpu.memory_space<vmem>>)
    %get3A_363 = arith.constant 0 : index
    %get3A_364 = arith.constant 0 : index
    %get3A_365 = arith.constant 0 : index
    %get3A_366 = vector.load %arg4[%get3A_363, %get3A_364, %get3A_365] : memref<2x512x128xf32, #tpu.memory_space<vmem>>, vector<1x512x128xf32>
    %get3A_367 = vector.shape_cast %get3A_366 : vector<1x512x128xf32> to vector<512x128xf32>
    %dot_general3A_368 = arith.constant dense<0.000000e+00> : vector<128x128xf32>
    %dot_general3A_369 = tpu.matmul %convert_element_type3A_349, %get3A_367, %dot_general3A_368 {dimension_numbers = #tpu.dot_dimension_numbers<[1], [0], [0], [1], [0, 0, 1, 1], [], []>, transpose_lhs_hint = false} : vector<128x512xf32>, vector<512x128xf32>, vector<128x128xf32> -> vector<128x128xf32>
    %add3A_370 = arith.addf %add3A_341, %dot_general3A_369 : vector<128x128xf32>
    %get3A_371 = arith.constant 0 : index
    %get3A_372 = arith.constant 9728 : index
    %get3A_373 = vector.load %arg0[%get3A_371, %get3A_372] : memref<1x10000xi32, #tpu.memory_space<vmem>>, vector<1x272xi32>
    %eq3A_374 = vector.broadcast %get3A_373 : vector<1x272xi32> to vector<128x272xi32>
    %eq3A_375 = vector.broadcast %iota3A : vector<128x1xi32> to vector<128x272xi32>
    %eq3A_376 = arith.cmpi eq, %eq3A_374, %eq3A_375 : vector<128x272xi32>
    %convert_element_type3A_377 = arith.extui %eq3A_376 : vector<128x272xi1> to vector<128x272xi32>
    %convert_element_type3A_378 = arith.sitofp %convert_element_type3A_377 : vector<128x272xi32> to vector<128x272xf32>
    %broadcast_in_dim3A_379 = arith.constant 1.000000e+00 : f32
    %broadcast_in_dim3A_380 = vector.broadcast %broadcast_in_dim3A_379 : f32 to vector<272x1xf32>
    %dot_general3A_381 = arith.constant dense<0.000000e+00> : vector<128x1xf32>
    %dot_general3A_382 = tpu.matmul %convert_element_type3A_378, %broadcast_in_dim3A_380, %dot_general3A_381 {dimension_numbers = #tpu.dot_dimension_numbers<[1], [0], [0], [1], [0, 0, 1, 1], [], []>, transpose_lhs_hint = false} : vector<128x272xf32>, vector<272x1xf32>, vector<128x1xf32> -> vector<128x1xf32>
    %add3A_383 = arith.addf %add3A_354, %dot_general3A_382 : vector<128x1xf32>
    %dma_wait3A_384 = arith.constant 1 : i32
    %dma_wait3A_385 = arith.constant 0 : i32
    %dma_wait3A_386 = arith.constant 0 : i32
    %dma_wait3A_387 = tpu.memref_slice %arg4[%dma_wait3A_384, %dma_wait3A_385, %dma_wait3A_386] : memref<2x512x128xf32, #tpu.memory_space<vmem>> -> memref<1x272x128xf32, #tpu.memory_space<vmem>>
    %dma_wait3A_388 = tpu.memref_squeeze %dma_wait3A_387 : memref<1x272x128xf32, #tpu.memory_space<vmem>> -> memref<272x128xf32, #tpu.memory_space<vmem>>
    %dma_wait3A_389 = arith.constant 9728 : i32
    %dma_wait3A_390 = arith.constant 0 : i32
    %dma_wait3A_391 = tpu.memref_slice %arg1[%dma_wait3A_389, %dma_wait3A_390] : memref<10000x128xf32, #tpu.memory_space<any>> -> memref<272x128xf32, #tpu.memory_space<any>>
    tpu.wait_dma2 semaphore(%arg6 : memref<!tpu.dma_semaphore, #tpu.memory_space<semaphore_mem>>) src(%dma_wait3A_391 : memref<272x128xf32, #tpu.memory_space<any>>) dst(%dma_wait3A_388 : memref<272x128xf32, #tpu.memory_space<vmem>>)
    %get3A_392 = arith.constant 1 : index
    %get3A_393 = arith.constant 0 : index
    %get3A_394 = arith.constant 0 : index
    %get3A_395 = vector.load %arg4[%get3A_392, %get3A_393, %get3A_394] : memref<2x512x128xf32, #tpu.memory_space<vmem>>, vector<1x272x128xf32>
    %get3A_396 = vector.shape_cast %get3A_395 : vector<1x272x128xf32> to vector<272x128xf32>
    %dot_general3A_397 = arith.constant dense<0.000000e+00> : vector<128x128xf32>
    %dot_general3A_398 = tpu.matmul %convert_element_type3A_378, %get3A_396, %dot_general3A_397 {dimension_numbers = #tpu.dot_dimension_numbers<[1], [0], [0], [1], [0, 0, 1, 1], [], []>, transpose_lhs_hint = false} : vector<128x272xf32>, vector<272x128xf32>, vector<128x128xf32> -> vector<128x128xf32>
    %add3A_399 = arith.addf %add3A_370, %dot_general3A_398 : vector<128x128xf32>
    %max3A = arith.constant 1.000000e+00 : f32
    %max3A_400 = vector.broadcast %max3A : f32 to vector<128x1xf32>
    %max3A_401 = arith.maximumf %add3A_383, %max3A_400 : vector<128x1xf32>
    %swap3A = arith.constant 0 : index
    %swap3A_402 = arith.constant 0 : index
    %swap3A_403 = vector.load %arg2[%swap3A, %swap3A_402] : memref<128x1xf32, #tpu.memory_space<vmem>>, vector<128x1xf32>
    tpu.vector_store %arg2[%swap3A, %swap3A_402], %max3A_401 {strides = array<i32>} : memref<128x1xf32, #tpu.memory_space<vmem>>, vector<128x1xf32>,
    %swap3A_404 = arith.constant 0 : index
    %swap3A_405 = arith.constant 0 : index
    %swap3A_406 = vector.load %arg3[%swap3A_404, %swap3A_405] : memref<128x128xf32, #tpu.memory_space<vmem>>, vector<128x128xf32>
    tpu.vector_store %arg3[%swap3A_404, %swap3A_405], %add3A_399 {strides = array<i32>} : memref<128x128xf32, #tpu.memory_space<vmem>>, vector<128x128xf32>,
    return
  }
}

</mosaic_0001>

<sc_bundles>
// kernel: kernel.5.cloned.1.call-start
scs
__scs_entry_jumppad:
0x0: {  	(pc) =	sbr.rel $0x88, $3  }
0x1: {  	(tag) =	ssettag $0x0;
	lr =	simm.s32 $0x1  }
0x2: {  	[smem:$0x3F9A] =	sst lr;
	_ =	strace $0xD0000000  }
0x3: {  	_ = 	snop  }
0x4: {  	_ = 	snop  }
0x5: {  	_ = 	snop  }
0x6: {  	_ = 	snop  }
0x7: {  	_ = 	snop  }
__scs_overlays_trampoline_lowered:
0x8: {  	[smem:$0x3FA9] =	sst s0  }
0x9: {  	[smem:$0x3FAA] =	sst s1  }
0xa: {  	[smem:$0x3FAB] =	sst s2  }
0xb: {  	[smem:$0x3FAC] =	sst s3  }
0xc: {  	[smem:$0x3FAD] =	sst s4  }
0xd: {  	[smem:$0x3FAE] =	sst s5  }
0xe: {  	[smem:$0x3FAF] =	sst s6  }
0xf: {  	[smem:$0x3FB0] =	sst s7  }
0x10: {  	[smem:$0x3FB1] =	sst s8  }
0x11: {  	[smem:$0x3FB2] =	sst s9;
	s0 =	simm.s32 @!p0 $0x0  }
0x12: {  	s1 =	sld [smem:$0x3F98];
	s0 =	simm.s32 @p0 $0x1  }
0x13: {  	[smem:$0x3FB3] =	sst s0;
	s0 =	simm.s32 @!p1 $0x0  }
0x14: {  	s2 =	sld [smem:$0x3F97];
	s0 =	simm.s32 @p1 $0x1  }
0x15: {  	[smem:$0x3FB4] =	sst s0;
	s0 =	simm.s32 @!p2 $0x0  }
0x16: {  	s3 =	sld [smem:$0x3FDB];
	s0 =	simm.s32 @p2 $0x1  }
0x17: {  	s4 =	simm.s32 $0x1BF5;
	[smem:$0x3FB6] =	sst s0  }
0x18: {  	s0 =	sld [smem:$0x3F99];
	_ =	swait.ge [sflag:s4], $0x0  }
0x19: {  	s7 =	sld [smem:$0x3F9A]  }
0x1a: {  	s8 =	sadd.s32 $0xFFFFE003, lr  }
0x1b: {  	s9 =	sadd.s32 $0xFFFFFEF7, lr;
	s5 =	simm.s32 $0xFFFFFFFF;
	p2 =	slt.u32 s8, $0xFFFFF086  }
0x1c: {  	p1 =	slt.u32 s9, $0xF7A;
	s5 =	simm.s32 @!p2 $0x0  }
0x1d: {  	s5 =	simm.s32 @p1 $0x1;
	p0 =	seq.s32 s7, s2  }
0x1e: {  	s7 =	smul.u32 @!p0 $0xF7A, s2;
	p2 =	seq.s32 @!p0 s5, $0x0  }
0x1f: {  	s9 =	smul.u32 $0xF7A, s1;
	s8 =	simm.s32 @!p0 $0x1BF5;
	p2 =	por !p2, p0  }
0x20: {  	[sflag:s8] =	ssyncset.s32 @!p0 $0xFFFFF086;
	s6 =	sadd.s32 @!p0 s3, s7;
	s7 =	simm.s32 @!p0 $0x108  }
0x21: {  	s3 =	sadd.s32 s3, s9;
	s6 =	sadd.s32 @!p0 $0x88, s6;
	s7 =	simm.s32 @p2 $0x1082  }
0x22: {  	[simem:s7], [sflag:s8] =	dma.local @!p0 [hbm:s6], $0xF7A  }
0x23: {  	s9 =	sor.u32 $0xD0000000, s2;
	s6 =	simm.s32 $0x108;
	_ =	swait.ge @!p0 [sflag:s8], $0x0  }
0x24: {  	s3 =	sadd.s32 $0x88, s3;
	s6 =	simm.s32 @!p1 $0x1082;
	[sflag:s4] =	ssyncset.s32 $0xFFFFF086  }
0x25: {  	[simem:s6], [sflag:s4] =	dma.local [hbm:s3], $0xF7A  }
0x26: {  	[smem:$0x3F9A] =	sst s1;
	(tag) =	ssettag s2;
	_ =	strace s9  }
0x27: {  	s1 =	sld [smem:$0x3FAA]  }
0x28: {  	s2 =	sld [smem:$0x3FAB]  }
0x29: {  	s4 =	sld [smem:$0x3FAD]  }
0x2a: {  	p0 =	seq.s32 s5, $0x0;
	s5 =	sld [smem:$0x3FAE]  }
0x2b: {  	s6 =	sld [smem:$0x3FAF]  }
0x2c: {  	s7 =	sld [smem:$0x3FB0]  }
0x2d: {  	s3 =	simm.s32 $0x108;
	s8 =	sld [smem:$0x3FB1]  }
0x2e: {  	s3 =	simm.s32 @!p0 $0x1082;
	s9 =	sld [smem:$0x3FB2]  }
0x2f: {  	lr =	sadd.s32 s0, s3;
	s0 =	sld [smem:$0x3FA9]  }
0x30: {  	s3 =	sld [smem:$0x3FAC]  }
0x31: {  	[smem:$0x3FB5] =	sst s10  }
0x32: {  	s10 =	sld [smem:$0x3FB3];
	_ =	sdelay $0x3  }
0x33: {  	p0 =	seq.s32 s10, $0x1;
	s10 =	sld [smem:$0x3FB5];
	_ =	sdelay $0x3  }
0x34: {  	[smem:$0x3FB5] =	sst s10  }
0x35: {  	s10 =	sld [smem:$0x3FB4];
	_ =	sdelay $0x3  }
0x36: {  	p1 =	seq.s32 s10, $0x1;
	s10 =	sld [smem:$0x3FB5];
	_ =	sdelay $0x3  }
0x37: {  	[smem:$0x3FB5] =	sst s10  }
0x38: {  	s10 =	sld [smem:$0x3FB6]  }
0x39: {  	_ = 	snop;
	(pc) =	sbr.ind lr, $3  }
0x3a: {  	_ = 	snop  }
0x3b: {  	_ = 	snop  }
0x3c: {  	p2 =	seq.s32 s10, $0x1;
	s10 =	sld [smem:$0x3FB5]  }
0x3d: {  	_ =	shalt  }
0x3e: {  	_ =	shalt  }
0x3f: {  	_ =	shalt  }
0x40: {  	_ =	shalt  }
0x41: {  	_ =	shalt  }
0x42: {  	_ =	shalt  }
0x43: {  	_ =	shalt  }
0x44: {  	_ =	shalt  }
0x45: {  	_ =	shalt  }
0x46: {  	_ =	shalt  }
0x47: {  	_ =	shalt  }
0x48: {  	_ =	shalt  }
0x49: {  	_ =	shalt  }
0x4a: {  	_ =	shalt  }
0x4b: {  	_ =	shalt  }
0x4c: {  	_ =	shalt  }
0x4d: {  	_ =	shalt  }
0x4e: {  	_ =	shalt  }
0x4f: {  	_ =	shalt  }
0x50: {  	_ =	shalt  }
0x51: {  	_ =	shalt  }
0x52: {  	_ =	shalt  }
0x53: {  	_ =	shalt  }
0x54: {  	_ =	shalt  }
0x55: {  	_ =	shalt  }
0x56: {  	_ =	shalt  }
0x57: {  	_ =	shalt  }
0x58: {  	_ =	shalt  }
0x59: {  	_ =	shalt  }
0x5a: {  	_ =	shalt  }
0x5b: {  	_ =	shalt  }
0x5c: {  	_ =	shalt  }
0x5d: {  	_ =	shalt  }
0x5e: {  	_ =	shalt  }
0x5f: {  	_ =	shalt  }
0x60: {  	_ =	shalt  }
0x61: {  	_ =	shalt  }
0x62: {  	_ =	shalt  }
0x63: {  	_ =	shalt  }
0x64: {  	_ =	shalt  }
0x65: {  	_ =	shalt  }
0x66: {  	_ =	shalt  }
0x67: {  	_ =	shalt  }
0x68: {  	_ =	shalt  }
0x69: {  	_ =	shalt  }
0x6a: {  	_ =	shalt  }
0x6b: {  	_ =	shalt  }
0x6c: {  	_ =	shalt  }
0x6d: {  	_ =	shalt  }
0x6e: {  	_ =	shalt  }
0x6f: {  	_ =	shalt  }
0x70: {  	_ =	shalt  }
0x71: {  	_ =	shalt  }
0x72: {  	_ =	shalt  }
0x73: {  	_ =	shalt  }
0x74: {  	_ =	shalt  }
0x75: {  	_ =	shalt  }
0x76: {  	_ =	shalt  }
0x77: {  	_ =	shalt  }
0x78: {  	_ =	shalt  }
0x79: {  	_ =	shalt  }
0x7a: {  	_ =	shalt  }
0x7b: {  	_ =	shalt  }
0x7c: {  	_ =	shalt  }
0x7d: {  	_ =	shalt  }
0x7e: {  	_ =	shalt  }
0x7f: {  	_ =	shalt  }
0x80: {  	_ =	shalt  }
0x81: {  	_ =	shalt  }
0x82: {  	_ =	shalt  }
0x83: {  	_ =	shalt  }
0x84: {  	_ =	shalt  }
0x85: {  	_ =	shalt  }
0x86: {  	_ =	shalt  }
0x87: {  	_ =	shalt  }
.Lfunc_end0:
.L_simem_size_0:
called_computation_lowered:
.L_overlay_start_0:
0x88: {  	s2 =	sld [smem:$0x3FD9]  }
0x89: {  	s3 =	sld [smem:$0x3FFE];
	_ =	sdelay $0x1  }
0x8a: {  	s1 =	srdreg.scid  }
0x8b: {  	s0 =	sand.u32 $0x1, s1  }
0x8c: {  	s17 =	sshll.u32 s0, $0xA;
	s2 =	sadd.s32 s3, s2  }
0x8d: {  	s2 =	sadd.s32 s2, s17  }
0x8e: {  	[smem:$0x3FC1] =	sst s2  }
0x8f: {  	_ = 	snop  }
0x90: {  	s2 =	sld [smem:$0x3FC9]  }
0x91: {  	s18 =	sld [smem:$0x3FC7];
	(tm) =	ssettm $0x1  }
0x92: {  	s4 =	sld [smem:$0x3FFB];
	_ =	sdelay $0x3  }
0x93: {  	_ =	strace s4  }
0x94: {  	s4 =	sld [smem:$0x3FFC];
	_ =	sdelay $0x3  }
0x95: {  	_ =	strace s4  }
0x96: {  	s4 =	sld [smem:$0x3FFD];
	_ =	sdelay $0x3  }
0x97: {  	_ =	strace s4  }
0x98: {  	_ =	strace $0x8FFFFFFF  }
0x99: {  	s19 =	sld [smem:$0x3FDB];
	_ =	sdelay $0x1  }
0x9a: {  	s5 =	simm.s32 $_scs_section_size  }
0x9b: {  	s6 =	simm.s32 $_size__tile_overlayer_lowered;
	s7 =	simm.s32 $_tile_overlayer_lowered  }
0x9c: {  	s22 =	simm.s32 $0x1BFF;
	s21 =	sshll.u32 s7, $0x1;
	s4 =	sadd.s32 s5, s19  }
0x9d: {  	s8 =	simm.s32 $0x0;
	s20 =	sshll.u32 s6, $0x1;
	s6 =	sadd.s32 s21, s4  }
0x9e: {  	[timem:s8], [sflag:s22] =	dma.local [hbm:s6], s20  }
0x9f: {  	_ =	swait.ge [sflag:s22], s20  }
0xa0: {  	s5 =	ssub.s32 $0x0, s20;
	[sflag:s22] =	ssyncset.done $0x0  }
0xa1: {  	[sflag:s22] =	ssyncadd.s32 s5;
	_ =	sdelay $0x1  }
0xa2: {  	s23 =	simm.s32 $0x1B8B  }
0xa3: {  	_ =	swait.ge [sflag:s23], $0x1  }
0xa4: {  	[sflag:s23] =	ssyncset.done $0x0  }
0xa5: {  	s25 =	simm.s32 $0x1B8E;
	s24 =	sld [smem:$0x3FFE];
	[sflag:s23] =	ssyncadd.s32 $0xFFFFFFFF  }
0xa6: {  	s26 =	simm.s32 $execute0_lowered;
	[smem:$0x3FD2] =	sst s25  }
0xa7: {  	s6 =	sshll.u32 s26, $0x1;
	_ =	strace $0x80000046;
	[dreg:$0x1] =	wrdreg $0xFFFFFFFF  }
0xa8: {  	s28 =	simm.s32 $_size_execute0_lowered;
	s4 =	sadd.s32 s4, s6;
	[dreg:$0x0] =	wrdreg $0x0  }
0xa9: {  	s6 =	sshll.u32 s28, $0x1;
	[dreg:$0x2] =	wrdreg s4  }
0xaa: {  	[dreg:$0x3] =	wrdreg s6  }
0xab: {  	[dreg:$0x4] =	wrdreg $0xC0  }
0xac: {  	_ =	task [dreg:s8], $0x5FFFF  }
0xad: {  	[dreg:$0x1] =	wrdreg $0xFFFFFFFF  }
0xae: {  	[dreg:$0x0] =	wrdreg $0x60  }
0xaf: {  	[dreg:$0x2] =	wrdreg s2  }
0xb0: {  	[dreg:$0x3] =	wrdreg s18  }
0xb1: {  	[dreg:$0x4] =	wrdreg s24  }
0xb2: {  	[dreg:$0x5] =	wrdreg $0x7A000  }
0xb3: {  	[dreg:$0x6] =	wrdreg $0x9  }
0xb4: {  	_ =	task.clear_ibuf [dreg:s8], $0x7FFFF;
	_ =	strace $0x90000046  }
0xb5: {  	s29 =	simm.s32 $0x9;
	_ =	strace $0x80000048  }
0xb6: {  	_ =	swait.ge [sflag:s29], $0x1  }
0xb7: {  	[sflag:s29] =	ssyncadd.s32 $0xFFFFFFFF  }
0xb8: {  	_ =	strace $0x90000048  }
0xb9: {  	_ =	sfence  }
0xba: {  	s30 =	sld [smem:$0x0];
	_ =	sdelay $0x2  }
0xbb: {  	s31 =	sshll.u32 s1, $0xD;
	s1 =	sshrl.u32 s1, $0x2  }
0xbc: {  	s3 =	sand.u32 $0x4000, s31;
	s1 =	sadd.s32 s1, s30  }
0xbd: {  	s0 =	sor.u32 s3, s0;
	s1 =	sshll.u32 s1, $0x11  }
0xbe: {  	s0 =	sor.u32 s1, s0  }
0xbf: {  	s0 =	sadd.s32 $0x8F2B, s0  }
0xc0: {  	[sflag:s0] =	ssyncadd.remote.s32 $0x1  }
0xc1: {  	_ =	sfence.sel $0xFFFF  }
0xc2: {  	[dreg:$0x0] =	wrdreg $0xFFFFFFFF;
	(pc) =	sbr.abs _section_cstart, $3  }
0xc3: {  	[dreg:$0x1] =	wrdreg $0xFFFFFFFF  }
0xc4: {  	_ =	task.clear_ibuf [dreg:s8], $0x2FFFF;
	_ =	strace $0x9FFFFFFF  }
0xc5: {  	(tm) =	ssettm $0x7FFFFFFF  }
tec
execute0_lowered:
.L_overlay_start_1:
0x0: {  	(tag) =	ssettag $0x1  }
0x1: {  	s3 =	rddreg [dreg:$0x0]  }
0x2: {  	s4 =	rddreg [dreg:$0x1]  }
0x3: {  	s5 =	rddreg [dreg:$0x2]  }
0x4: {  	s1 =	rddreg [dreg:$0x3]  }
0x5: {  	s0 =	rddreg [dreg:$0x4]  }
0x6: {  	s2 =	simm.s32 $0x0;
	s6 =	srdreg.scid;
	s8 =	stileid.u32  }
0x7: {  	s13 =	simm.s32 $0x80;
	s14 =	simm.s32 $0x7100;
	s15 =	simm.s32 $0x60  }
0x8: {  	s16 =	simm.s32 $0x7180;
	s17 =	simm.s32 $0x4000;
	s18 =	simm.s32 $0x3  }
0x9: {  	[smem:$0x7FF] =	sst s2;
	s6 =	sand.u32 $0x1, s6;
	s7 =	sshll.u32 s8, $0x1  }
0xa: {  	s11 =	sshll.u32 s8, $0x4;
	p0 =	sne.s32 s8, $0x0;
	s8 =	simm.s32 $0x7000  }
0xb: {  	_ =	strace $0x80000047;
	s9 =	smul.u32 $0x880, s6;
	s7 =	sor.u32 s6, s7  }
0xc: {  	s6 =	ssub.s32 $0x2, s6;
	s11 =	smin.u32 s11, $0x78;
	s10 =	smul.u32 $0xE00, s7  }
0xd: {  	s19 =	sshrl.u32 @!p0 s1, $0x3;
	s12 =	sshrl.u32 s6, $0x1;
	s7 =	smul.u32 $0x1C, s7  }
0xe: {  	s31 =	sshll.u32 s11, $0x7;
	s11 =	simm.s32 $0x2;
	s9 =	sadd.s32 s9, s5  }
0xf: {  	s12 =	ssub.s32 s6, s12;
	s5 =	sadd.s32 s31, s1;
	s3 =	sadd.s32 s3, s10  }
0x10: {  	s4 =	sadd.s32 s4, s7;
	s6 =	sadd.s32 $0x1600, s9;
	s7 =	smax.u32 s12, $0x1  }
0x11: {  	v0 =	vimm.f32 $0.0e+00;
	s9 =	simm.s32 $0x7200;
	s10 =	simm.s32 $0x4;
	s12 =	simm.s32 $0x1  }
.LBB2_1:
0x12: {  	[tilespmem:s2], [sflag:$0x1] =	stream.linear.gather [hbm4b:s3+s2], $0x7000, $0x38;
	[tilespmem:$0x7E40] =	vst v63  }
0x13: {  	_ = 	snop  }
0x14: {  	[tilespmem:s8], [sflag:$0x2] =	stream.linear.gather [hbm4b:s4+s2], $0xE0, $0x38;
	[tilespmem:$0x7E40] =	vst v63  }
0x15: {  	[tilespmem:$0x7200] =	vst v0  }
0x16: {  	[tilespmem:$0x7210] =	vst v0  }
0x17: {  	[tilespmem:$0x7220] =	vst v0  }
0x18: {  	[tilespmem:$0x7230] =	vst v0  }
0x19: {  	[tilespmem:$0x7240] =	vst v0  }
0x1a: {  	[tilespmem:$0x7250] =	vst v0  }
0x1b: {  	[tilespmem:$0x7260] =	vst v0  }
0x1c: {  	[tilespmem:$0x7270] =	vst v0  }
0x1d: {  	[tilespmem:$0x7280] =	vst v0  }
0x1e: {  	[tilespmem:$0x7290] =	vst v0  }
0x1f: {  	[tilespmem:$0x72A0] =	vst v0  }
0x20: {  	[tilespmem:$0x72B0] =	vst v0  }
0x21: {  	[tilespmem:$0x72C0] =	vst v0  }
0x22: {  	[tilespmem:$0x72D0] =	vst v0  }
0x23: {  	[tilespmem:$0x72E0] =	vst v0  }
0x24: {  	[tilespmem:$0x72F0] =	vst v0  }
0x25: {  	[tilespmem:$0x7300] =	vst v0  }
0x26: {  	[tilespmem:$0x7310] =	vst v0  }
0x27: {  	[tilespmem:$0x7320] =	vst v0  }
0x28: {  	[tilespmem:$0x7330] =	vst v0  }
0x29: {  	[tilespmem:$0x7340] =	vst v0  }
0x2a: {  	[tilespmem:$0x7350] =	vst v0  }
0x2b: {  	[tilespmem:$0x7360] =	vst v0  }
0x2c: {  	[tilespmem:$0x7370] =	vst v0  }
0x2d: {  	[tilespmem:$0x7380] =	vst v0  }
0x2e: {  	[tilespmem:$0x7390] =	vst v0  }
0x2f: {  	[tilespmem:$0x73A0] =	vst v0  }
0x30: {  	[tilespmem:$0x73B0] =	vst v0  }
0x31: {  	[tilespmem:$0x73C0] =	vst v0  }
0x32: {  	[tilespmem:$0x73D0] =	vst v0  }
0x33: {  	[tilespmem:$0x73E0] =	vst v0  }
0x34: {  	[tilespmem:$0x73F0] =	vst v0  }
0x35: {  	[tilespmem:$0x7400] =	vst v0  }
0x36: {  	[tilespmem:$0x7410] =	vst v0  }
0x37: {  	[tilespmem:$0x7420] =	vst v0  }
0x38: {  	[tilespmem:$0x7430] =	vst v0  }
0x39: {  	[tilespmem:$0x7440] =	vst v0  }
0x3a: {  	[tilespmem:$0x7450] =	vst v0  }
0x3b: {  	[tilespmem:$0x7460] =	vst v0  }
0x3c: {  	[tilespmem:$0x7470] =	vst v0  }
0x3d: {  	[tilespmem:$0x7480] =	vst v0  }
0x3e: {  	[tilespmem:$0x7490] =	vst v0  }
0x3f: {  	[tilespmem:$0x74A0] =	vst v0  }
0x40: {  	[tilespmem:$0x74B0] =	vst v0  }
0x41: {  	[tilespmem:$0x74C0] =	vst v0  }
0x42: {  	[tilespmem:$0x74D0] =	vst v0  }
0x43: {  	[tilespmem:$0x74E0] =	vst v0  }
0x44: {  	[tilespmem:$0x74F0] =	vst v0  }
0x45: {  	[tilespmem:$0x7500] =	vst v0  }
0x46: {  	[tilespmem:$0x7510] =	vst v0  }
0x47: {  	[tilespmem:$0x7520] =	vst v0  }
0x48: {  	[tilespmem:$0x7530] =	vst v0  }
0x49: {  	[tilespmem:$0x7540] =	vst v0  }
0x4a: {  	[tilespmem:$0x7550] =	vst v0  }
0x4b: {  	[tilespmem:$0x7560] =	vst v0  }
0x4c: {  	[tilespmem:$0x7570] =	vst v0  }
0x4d: {  	[tilespmem:$0x7580] =	vst v0  }
0x4e: {  	[tilespmem:$0x7590] =	vst v0  }
0x4f: {  	[tilespmem:$0x75A0] =	vst v0  }
0x50: {  	[tilespmem:$0x75B0] =	vst v0  }
0x51: {  	[tilespmem:$0x75C0] =	vst v0  }
0x52: {  	[tilespmem:$0x75D0] =	vst v0  }
0x53: {  	[tilespmem:$0x75E0] =	vst v0  }
0x54: {  	[tilespmem:$0x75F0] =	vst v0  }
0x55: {  	[tilespmem:$0x7600] =	vst v0  }
0x56: {  	[tilespmem:$0x7610] =	vst v0  }
0x57: {  	[tilespmem:$0x7620] =	vst v0  }
0x58: {  	[tilespmem:$0x7630] =	vst v0  }
0x59: {  	[tilespmem:$0x7640] =	vst v0  }
0x5a: {  	[tilespmem:$0x7650] =	vst v0  }
0x5b: {  	[tilespmem:$0x7660] =	vst v0  }
0x5c: {  	[tilespmem:$0x7670] =	vst v0  }
0x5d: {  	[tilespmem:$0x7680] =	vst v0  }
0x5e: {  	[tilespmem:$0x7690] =	vst v0  }
0x5f: {  	[tilespmem:$0x76A0] =	vst v0  }
0x60: {  	[tilespmem:$0x76B0] =	vst v0  }
0x61: {  	[tilespmem:$0x76C0] =	vst v0  }
0x62: {  	[tilespmem:$0x76D0] =	vst v0  }
0x63: {  	[tilespmem:$0x76E0] =	vst v0  }
0x64: {  	[tilespmem:$0x76F0] =	vst v0  }
0x65: {  	[tilespmem:$0x7700] =	vst v0  }
0x66: {  	[tilespmem:$0x7710] =	vst v0  }
0x67: {  	[tilespmem:$0x7720] =	vst v0  }
0x68: {  	[tilespmem:$0x7730] =	vst v0  }
0x69: {  	[tilespmem:$0x7740] =	vst v0  }
0x6a: {  	[tilespmem:$0x7750] =	vst v0  }
0x6b: {  	[tilespmem:$0x7760] =	vst v0  }
0x6c: {  	[tilespmem:$0x7770] =	vst v0  }
0x6d: {  	[tilespmem:$0x7780] =	vst v0  }
0x6e: {  	[tilespmem:$0x7790] =	vst v0  }
0x6f: {  	[tilespmem:$0x77A0] =	vst v0  }
0x70: {  	[tilespmem:$0x77B0] =	vst v0  }
0x71: {  	[tilespmem:$0x77C0] =	vst v0  }
0x72: {  	[tilespmem:$0x77D0] =	vst v0  }
0x73: {  	[tilespmem:$0x77E0] =	vst v0  }
0x74: {  	[tilespmem:$0x77F0] =	vst v0  }
0x75: {  	[tilespmem:$0x7800] =	vst v0  }
0x76: {  	[tilespmem:$0x7810] =	vst v0  }
0x77: {  	[tilespmem:$0x7820] =	vst v0  }
0x78: {  	[tilespmem:$0x7830] =	vst v0  }
0x79: {  	[tilespmem:$0x7840] =	vst v0  }
0x7a: {  	[tilespmem:$0x7850] =	vst v0  }
0x7b: {  	[tilespmem:$0x7860] =	vst v0  }
0x7c: {  	[tilespmem:$0x7870] =	vst v0  }
0x7d: {  	[tilespmem:$0x7880] =	vst v0  }
0x7e: {  	[tilespmem:$0x7890] =	vst v0  }
0x7f: {  	[tilespmem:$0x78A0] =	vst v0  }
0x80: {  	[tilespmem:$0x78B0] =	vst v0  }
0x81: {  	[tilespmem:$0x78C0] =	vst v0  }
0x82: {  	[tilespmem:$0x78D0] =	vst v0  }
0x83: {  	[tilespmem:$0x78E0] =	vst v0  }
0x84: {  	[tilespmem:$0x78F0] =	vst v0  }
0x85: {  	[tilespmem:$0x7900] =	vst v0  }
0x86: {  	[tilespmem:$0x7910] =	vst v0  }
0x87: {  	[tilespmem:$0x7920] =	vst v0  }
0x88: {  	[tilespmem:$0x7930] =	vst v0  }
0x89: {  	[tilespmem:$0x7940] =	vst v0  }
0x8a: {  	[tilespmem:$0x7950] =	vst v0  }
0x8b: {  	[tilespmem:$0x7960] =	vst v0  }
0x8c: {  	[tilespmem:$0x7970] =	vst v0  }
0x8d: {  	[tilespmem:$0x7980] =	vst v0  }
0x8e: {  	[tilespmem:$0x7990] =	vst v0  }
0x8f: {  	[tilespmem:$0x79A0] =	vst v0  }
0x90: {  	[tilespmem:$0x79B0] =	vst v0  }
0x91: {  	[tilespmem:$0x79C0] =	vst v0  }
0x92: {  	[tilespmem:$0x79D0] =	vst v0  }
0x93: {  	[tilespmem:$0x79E0] =	vst v0  }
0x94: {  	[tilespmem:$0x79F0] =	vst v0  }
0x95: {  	[spmem:s5] =	stream.linear.scatter [tilespmem:s9], [sflag:$0x4], $0x800, $0x38;
	[tilespmem:$0x7E40] =	vst v63  }
0x96: {  	_ =	swait.ge [sflag:s10], $0x800  }
0x97: {  	[sflag:s10] =	ssyncset.done $0x0  }
0x98: {  	[sflag:s10] =	ssyncadd.s32 $0xFFFFF800  }
0x99: {  	_ =	swait.ge [sflag:s11], $0xE0  }
0x9a: {  	[sflag:s11] =	ssyncset.done $0x0  }
0x9b: {  	[sflag:s11] =	ssyncadd.s32 $0xFFFFFF20  }
0x9c: {  	v1 =	vld [tilespmem:$0x7000]  }
0x9d: {  	v2 =	vld [tilespmem:$0x7010]  }
0x9e: {  	v3 =	vld [tilespmem:$0x7020]  }
0x9f: {  	v4 =	vld [tilespmem:$0x7030]  }
0xa0: {  	v5 =	vld [tilespmem:$0x7040]  }
0xa1: {  	v61 =	vld [tilespmem:$0x7080];
	[tilespmem:$0x7100] =	vst v1  }
0xa2: {  	v1 =	vld [tilespmem:$0x7050];
	[tilespmem:$0x7110] =	vst v2  }
0xa3: {  	v2 =	vld [tilespmem:$0x7060];
	[tilespmem:$0x7120] =	vst v3  }
0xa4: {  	v3 =	vld [tilespmem:$0x7070];
	[tilespmem:$0x7130] =	vst v4  }
0xa5: {  	v62 =	vld [tilespmem:$0x7090];
	[tilespmem:$0x7140] =	vst v5  }
0xa6: {  	v63 =	vld [tilespmem:$0x70D0];
	[tilespmem:$0x7180] =	vst v61  }
0xa7: {  	[tilespmem:$0x7150] =	vst v1;
	v1 =	vld [tilespmem:$0x70A0]  }
0xa8: {  	[tilespmem:$0x7160] =	vst v2;
	v2 =	vld [tilespmem:$0x70B0]  }
0xa9: {  	[tilespmem:$0x7170] =	vst v3;
	v3 =	vld [tilespmem:$0x70C0]  }
0xaa: {  	[tilespmem:$0x7190] =	vst v62  }
0xab: {  	[tilespmem:$0x71D0] =	vst v63  }
0xac: {  	[tilespmem:$0x71A0] =	vst v1  }
0xad: {  	[tilespmem:$0x71B0] =	vst v2  }
0xae: {  	[tilespmem:$0x71C0] =	vst v3  }
0xaf: {  	_ =	swait.ge [sflag:s12], $0x7000  }
0xb0: {  	[sflag:s12] =	ssyncset.done $0x0  }
0xb1: {  	[sflag:s12] =	ssyncadd.s32 $0xFFFF9000  }
0xb2: {  	[bflag:$0x0] =	sbarrier.arrive $0xFFFF  }
0xb3: {  	[spmem:s1] =	stream.indirect.scatter.add.f32 [tilespmem:s2], [sflag:$0x3], $0x80, s14, s13, $0xb8;
	[tilespmem:$0x7E40] =	vst v63  }
0xb4: {  	_ = 	snop  }
0xb5: {  	[spmem:s1] =	stream.indirect.scatter.add.f32 [tilespmem:s17], [sflag:$0x3], $0x80, s16, s15, $0xb8;
	[tilespmem:$0x7E40] =	vst v63  }
0xb6: {  	_ =	swait.ge [sflag:s18], $0x4000  }
0xb7: {  	[sflag:s18] =	ssyncset.done $0x0  }
0xb8: {  	[sflag:s18] =	ssyncadd.s32 $0xFFFFC000  }
0xb9: {  	_ =	swait.ge [sflag:s18], $0x3000  }
0xba: {  	[sflag:s18] =	ssyncset.done $0x0  }
0xbb: {  	s7 =	sadd.s32 $0xFFFFFFFF, s7;
	[sflag:s18] =	ssyncadd.s32 $0xFFFFD000  }
0xbc: {  	s20 =	simm.s32 @!p0 $0x1C04;
	p1 =	sne.s32 s7, $0x0;
	[bflag:$0x0] =	sbarrier.arrive $0xFFFF  }
0xbd: {  	[hbm:s6], [sflag:s20] =	dma.local @!p0 [spmem:s19], $0x880  }
.Ltmp0:
0xbe: {  	_ = 	snop;
	(pc) =	sbr.rel @p1 .LBB2_1-.Ltmp0, $4  }
0xbf: {  	s20 =	simm.s32 @!p0 $0x4  }
0xc0: {  	_ =	swait.ge @!p0 [sflag:s20], $0x880  }
0xc1: {  	[sflag:s20] =	ssyncset.done @!p0 $0x0  }
0xc2: {  	[sflag:s20] =	ssyncadd.s32 @!p0 $0xFFFFF780  }
0xc3: {  	_ =	sfence.sel $0x180000  }
0xc4: {  	[bflag:$0x0] =	sbarrier.arrive $0xFFFF  }
0xc5: {  	_ =	strace $0x90000047  }
0xc6: {  	s0 =	sadd.s32 @!p0 $0x100000, s0;
	[bflag:$0x2] =	sbarrier.arrive $0xFFFF  }
0xc7: {  	[sflag:s0] =	ssyncadd.tile.s32 @!p0 $0x1;
	_ =	shalt  }
.Lfunc_end2:
_tile_overlayer_lowered:
.L_overlay_start_2:
0xc8: {  	(tag) =	ssettag $0x2  }
0xc9: {  	s0 =	rddreg [dreg:$0x0];
	s2 =	stileid.u32  }
0xca: {  	s1 =	rddreg [dreg:$0x1];
	p0 =	sne.s32 s2, $0x0  }
0xcb: {  	s3 =	rddreg [dreg:$0x2];
	[bflag:$0x3] =	sbarrier.arrive $0xFFFF;
	s2 =	simm.s32 @!p0 $0x1C04  }
0xcc: {  	[timem:s3], [sflag:s2] =	dma.local @!p0 [hbm:s0], s1  }
0xcd: {  	s0 =	simm.s32 @!p0 $0x4  }
0xce: {  	_ =	swait.ge @!p0 [sflag:s0], s1  }
0xcf: {  	s1 =	ssub.s32 @!p0 $0x0, s1;
	[sflag:s0] =	ssyncset.done @!p0 $0x0  }
0xd0: {  	[sflag:s0] =	ssyncadd.s32 @!p0 s1  }
0xd1: {  	[bflag:$0x3] =	sbarrier.arrive $0xFFFF  }
0xd2: {  	_ =	shalt  }

</sc_bundles>
